<compile_context>
chip_gen: v7x
topology: tpu7x:2x2x1
jax: 0.10.2.dev20260603
libtpu: 0.0.44.dev20260713+nightly
codegen_flags: <defaults>
</compile_context>

<pallas_src>
import jax
import jax.numpy as jnp
from jax.experimental import pallas as pl

N_HIT = 50000
N_TRUE = 256
N_EDGE = 30000
S_B = 1.0
Q_MIN = 0.5
E_B = 3000
H_B = 5000


def _atanh2(v):
    a = 0.5 * jnp.log((1.0 + v) / (1.0 - v))
    return a * a


def _segmax_kernel(ep_ref, vals_ref, out_ref):
    i = pl.program_id(0)

    @pl.when(i == 0)
    def _():
        out_ref[...] = jnp.full(out_ref.shape, -1.0, jnp.float32)

    lane = jax.lax.broadcasted_iota(jnp.int32, (E_B, N_TRUE), 1)
    mask = ep_ref[...] == lane
    contrib = jnp.where(mask, vals_ref[...], -1.0)
    out_ref[...] = jnp.maximum(out_ref[...],
                               jnp.max(contrib, axis=0, keepdims=True))


def _argmin_kernel(ep_ref, vals_ref, segmax_ref, out_ref):
    i = pl.program_id(0)

    @pl.when(i == 0)
    def _():
        out_ref[...] = jnp.full(out_ref.shape, N_EDGE, jnp.int32)

    lane = jax.lax.broadcasted_iota(jnp.int32, (E_B, N_TRUE), 1)
    row = jax.lax.broadcasted_iota(jnp.int32, (E_B, 1), 0)
    eidx = i * E_B + row
    cond = (ep_ref[...] == lane) & (vals_ref[...] >= segmax_ref[...])
    cand = jnp.where(cond, eidx, N_EDGE)
    out_ref[...] = jnp.minimum(out_ref[...],
                               jnp.min(cand, axis=0, keepdims=True))


def _hit_kernel(x_ref, f_ref, yi_ref, ys_ref, lp_ref, xct_ref, fc_ref,
                segmax_ref, out_ref):
    i = pl.program_id(0)

    @pl.when(i == 0)
    def _():
        out_ref[...] = jnp.zeros(out_ref.shape, jnp.float32)

    f = f_ref[...]
    q = _atanh2(f) + Q_MIN
    qc = _atanh2(fc_ref[...]) + Q_MIN

    dist = jnp.zeros((H_B, N_TRUE), jnp.float32)
    for d in range(3):
        diff = x_ref[:, d:d + 1] - xct_ref[d:d + 1, :]
        dist = dist + diff * diff
    base = jnp.maximum(1.0 - dist, 0.0) * qc
    v_base = jnp.sum(jnp.sum(base, axis=1, keepdims=True) * q)

    bkg = (yi_ref[...] == -1) & (ys_ref[...] >= 0)
    bkgf = bkg.astype(jnp.float32)
    n_bkg = jnp.sum(bkgf)
    bkg_sum = jnp.sum(bkgf * f)
    xi = jnp.where(bkg, 0.0, _atanh2(f))
    xi_sum = jnp.sum(xi)
    lp_xi = jnp.sum(jnp.sum(lp_ref[...], axis=1, keepdims=True) * xi)
    fcs = jnp.where(i == 0,
                    jnp.sum(jnp.maximum(segmax_ref[...], 0.0)), 0.0)

    lane = jax.lax.broadcasted_iota(jnp.int32, (1, 128), 1)
    upd = (jnp.where(lane == 0, v_base, 0.0)
           + jnp.where(lane == 1, n_bkg, 0.0)
           + jnp.where(lane == 2, bkg_sum, 0.0)
           + jnp.where(lane == 3, xi_sum, 0.0)
           + jnp.where(lane == 4, lp_xi, 0.0)
           + jnp.where(lane == 5, fcs, 0.0))
    out_ref[...] = out_ref[...] + upd


def _edge_kernel(ep_ref, xe_ref, fe_ref, w_ref, xct_ref, fc_ref, out_ref):
    i = pl.program_id(0)

    @pl.when(i == 0)
    def _():
        out_ref[...] = jnp.zeros(out_ref.shape, jnp.float32)

    lane = jax.lax.broadcasted_iota(jnp.int32, (E_B, N_TRUE), 1)
    mask = ep_ref[...] == lane
    dist = jnp.zeros((E_B, N_TRUE), jnp.float32)
    for d in range(3):
        diff = xe_ref[:, d:d + 1] - xct_ref[d:d + 1, :]
        dist = dist + diff * diff
    d_e = jnp.sum(jnp.where(mask, dist, 0.0), axis=1, keepdims=True)
    qc = _atanh2(fc_ref[...]) + Q_MIN
    qcg = jnp.sum(jnp.where(mask, qc, 0.0), axis=1, keepdims=True)
    qe = _atanh2(fe_ref[...]) + Q_MIN
    corr = jnp.sum(w_ref[...] * qe * qcg
                   * (d_e - jnp.maximum(1.0 - d_e, 0.0)))
    lane128 = jax.lax.broadcasted_iota(jnp.int32, (1, 128), 1)
    out_ref[...] = out_ref[...] + jnp.where(lane128 == 0, corr, 0.0)


def kernel(x, f, y_i, y_s, n_true, e_true, l_p):
    x = x.astype(jnp.float32)
    f = f.astype(jnp.float32)
    e_h = e_true[0].astype(jnp.int32)
    e_p = e_true[1].astype(jnp.int32)
    vals = f[e_h]

    ep2 = e_p.reshape(-1, 1)
    vals2 = vals.reshape(-1, 1)
    n_eb = N_EDGE // E_B

    segmax = pl.pallas_call(
        _segmax_kernel,
        grid=(n_eb,),
        in_specs=[pl.BlockSpec((E_B, 1), lambda i: (i, 0)),
                  pl.BlockSpec((E_B, 1), lambda i: (i, 0))],
        out_specs=pl.BlockSpec((1, N_TRUE), lambda i: (0, 0)),
        out_shape=jax.ShapeDtypeStruct((1, N_TRUE), jnp.float32),
    )(ep2, vals2)

    arg = pl.pallas_call(
        _argmin_kernel,
        grid=(n_eb,),
        in_specs=[pl.BlockSpec((E_B, 1), lambda i: (i, 0)),
                  pl.BlockSpec((E_B, 1), lambda i: (i, 0)),
                  pl.BlockSpec((1, N_TRUE), lambda i: (0, 0))],
        out_specs=pl.BlockSpec((1, N_TRUE), lambda i: (0, 0)),
        out_shape=jax.ShapeDtypeStruct((1, N_TRUE), jnp.int32),
    )(ep2, vals2, segmax)

    centers = e_h[arg[0]]
    xct = x[centers].T
    fc_row = f[centers].reshape(1, N_TRUE)

    keys = jnp.sort(e_h * N_TRUE + e_p)
    prev = jnp.concatenate([jnp.full((1,), -1, jnp.int32), keys[:-1]])
    w = (keys != prev).astype(jnp.float32).reshape(-1, 1)
    eh_s = keys // N_TRUE
    ep_s = (keys % N_TRUE).reshape(-1, 1)
    xe = x[eh_s]
    fe = f[eh_s].reshape(-1, 1)

    n_hb = N_HIT // H_B
    acc = pl.pallas_call(
        _hit_kernel,
        grid=(n_hb,),
        in_specs=[pl.BlockSpec((H_B, 3), lambda i: (i, 0)),
                  pl.BlockSpec((H_B, 1), lambda i: (i, 0)),
                  pl.BlockSpec((H_B, 1), lambda i: (i, 0)),
                  pl.BlockSpec((H_B, 1), lambda i: (i, 0)),
                  pl.BlockSpec((H_B, 4), lambda i: (i, 0)),
                  pl.BlockSpec((3, N_TRUE), lambda i: (0, 0)),
                  pl.BlockSpec((1, N_TRUE), lambda i: (0, 0)),
                  pl.BlockSpec((1, N_TRUE), lambda i: (0, 0))],
        out_specs=pl.BlockSpec((1, 128), lambda i: (0, 0)),
        out_shape=jax.ShapeDtypeStruct((1, 128), jnp.float32),
    )(x, f.reshape(-1, 1), y_i.reshape(-1, 1).astype(jnp.int32),
      y_s.reshape(-1, 1).astype(jnp.int32), l_p.astype(jnp.float32),
      xct, fc_row, segmax)

    corr = pl.pallas_call(
        _edge_kernel,
        grid=(n_eb,),
        in_specs=[pl.BlockSpec((E_B, 1), lambda i: (i, 0)),
                  pl.BlockSpec((E_B, 3), lambda i: (i, 0)),
                  pl.BlockSpec((E_B, 1), lambda i: (i, 0)),
                  pl.BlockSpec((E_B, 1), lambda i: (i, 0)),
                  pl.BlockSpec((3, N_TRUE), lambda i: (0, 0)),
                  pl.BlockSpec((1, N_TRUE), lambda i: (0, 0))],
        out_specs=pl.BlockSpec((1, 128), lambda i: (0, 0)),
        out_shape=jax.ShapeDtypeStruct((1, 128), jnp.float32),
    )(ep_s, xe, fe, w, xct, fc_row)

    v_base = acc[0, 0]
    n_bkg = acc[0, 1]
    bkg_sum = acc[0, 2]
    xi_sum = acc[0, 3]
    lp_xi = acc[0, 4]
    fc_sum = acc[0, 5]

    b = 1.0 - fc_sum / n_true
    b = b + jnp.where(n_bkg > 0,
                      (S_B / jnp.maximum(n_bkg, 1.0)) * bkg_sum, 0.0)
    v = (v_base + corr[0, 0]) / N_HIT
    p = lp_xi / xi_sum
    return jnp.stack([b, v, p])

# --- scband reference (transcript-rebuilt; emitter-appended) ---
"""Pipeline reference for scband-obj-condensation-loss-63342177681532 (READ-ONLY COPY).

The authoritative reference and input builder live on the scoring server;
editing this copy changes nothing except your own understanding.
"""

import jax, jax.numpy as jnp
import numpy as np

N_HIT = 50000
N_TRUE = 256
N_EDGE = 30000
D = 3
L = 4
S_B = 1.0
Q_MIN = 0.5


def setup_inputs(seed: int = 0) -> dict:
    key = jax.random.key(seed)
    ks = jax.random.split(key, 7)
    x = jax.random.normal(ks[0], (N_HIT, D), dtype=jnp.float32)
    # f is a 'beta'/confidence in (0,1); keep away from 1.0 so atanh stays finite
    f = jax.random.uniform(ks[1], (N_HIT,), dtype=jnp.float32, minval=0.01, maxval=0.95)
    y_i = jax.random.randint(ks[2], (N_HIT,), -1, N_TRUE)  # -1 marks background hits
    y_s = jax.random.randint(ks[3], (N_HIT,), 0, 8)
    e_h = jax.random.randint(ks[4], (N_EDGE,), 0, N_HIT)
    e_p = jax.random.randint(ks[5], (N_EDGE,), 0, N_TRUE)
    # guarantee every particle 0..N_TRUE-1 has at least one associated hit
    e_p = e_p.at[:N_TRUE].set(jnp.arange(N_TRUE))
    e_true = jnp.stack([e_h, e_p], axis=0)
    l_p = jax.random.uniform(ks[6], (N_HIT, L), dtype=jnp.float32)
    return {"x": x, "f": f, "y_i": y_i, "y_s": y_s, "n_true": N_TRUE, "e_true": e_true, "l_p": l_p}


def reference(x, f, y_i, y_s, n_true, e_true, l_p):
    n_hit = x.shape[0]
    e_h = e_true[0]
    e_p = e_true[1]
    n_edges = e_h.shape[0]

    # scatter_max(f[e_h], e_p, out=zeros(n_true)) -> (max values, argmax into src)
    vals = f[e_h]
    seg_max = jax.ops.segment_max(vals, e_p, num_segments=N_TRUE)
    f_centers = jnp.maximum(seg_max, 0.0)  # out initialized to zeros in torch_scatter
    eidx = jnp.arange(n_edges)
    arg = jax.ops.segment_min(jnp.where(vals >= seg_max[e_p], eidx, n_edges), e_p, num_segments=N_TRUE)
    centers = e_h[arg]

    bkg_mask = (y_i == -1) & (y_s >= 0)

    # l_b: background term
    b = 1.0 - jnp.sum(f_centers) / n_true
    n_bkg = jnp.sum(bkg_mask)
    bkg_sum = jnp.sum(jnp.where(bkg_mask, f, 0.0))
    b = b + jnp.where(n_bkg > 0, (S_B / jnp.maximum(n_bkg, 1).astype(f.dtype)) * bkg_sum, 0.0)

    # l_v: potential term
    q = jnp.square(jnp.arctanh(f)) + Q_MIN
    m_ik = jnp.zeros((n_hit, N_TRUE), dtype=bool).at[e_h, e_p].set(True)
    x_c = x[centers]
    dist = jnp.sum(jnp.square(x[:, None, :] - x_c[None, :, :]), axis=2)
    v_mat = jnp.where(m_ik, dist, jnp.clip(1.0 - dist, 0.0))
    v = jnp.sum(jnp.sum(v_mat * q[centers][None, :], axis=1) * q) / n_hit

    # l_p: particle property term (mask via where, equivalent to boolean indexing)
    nb = ~bkg_mask
    xi = jnp.where(nb, jnp.square(jnp.arctanh(f)), 0.0)
    p = jnp.sum(l_p * xi[:, None]) / jnp.sum(xi)

    return jnp.stack([b, v, p])

if __name__ == "__main__":
    import jax
    _d = setup_inputs()
    print(jax.jit(kernel)(*tuple(_d.values())))

</pallas_src>

<mosaic_0001>
module attributes {stable_mosaic.version = 14 : i64} {
  func.func @_segmax_kernel(%arg0: i32, %arg1: memref<3000x1xi32, #tpu.memory_space<vmem>>, %arg2: memref<3000x1xf32, #tpu.memory_space<vmem>>, %arg3: memref<1x256xf32, #tpu.memory_space<vmem>>) attributes {dimension_semantics = [#tpu.dimension_semantics<arbitrary>], iteration_bounds = array<i64: 10>, scalar_prefetch = 0 : i64, scratch_operands = 0 : i64, tpu.core_type = #tpu.core_type<tc>, window_params = [{transform_indices = @transform_0, window_bounds = array<i64: 3000, 1>}, {transform_indices = @transform_1, window_bounds = array<i64: 3000, 1>}, {pipeline_mode = #tpu.pipeline_mode<synchronous>, transform_indices = @transform_2, window_bounds = array<i64: 1, 256>}]} {
    %eq3A = arith.constant 0 : i32
    %eq3A_0 = arith.cmpi eq, %arg0, %eq3A : i32
    %convert_element_type3A = arith.extui %eq3A_0 : i1 to i32
    %cond3A = arith.constant 0 : i32
    %cond3A_1 = arith.cmpi ne, %convert_element_type3A, %cond3A : i32
    scf.if %cond3A_1 {
      %broadcast_in_dim3A_18 = arith.constant -1.000000e+00 : f32
      %broadcast_in_dim3A_19 = vector.broadcast %broadcast_in_dim3A_18 : f32 to vector<1x256xf32>
      %swap3A_20 = arith.constant 0 : index
      %swap3A_21 = arith.constant 0 : index
      %swap3A_22 = vector.load %arg3[%swap3A_20, %swap3A_21] : memref<1x256xf32, #tpu.memory_space<vmem>>, vector<1x256xf32>
      tpu.vector_store %arg3[%swap3A_20, %swap3A_21], %broadcast_in_dim3A_19 {strides = array<i32>} : memref<1x256xf32, #tpu.memory_space<vmem>>, vector<1x256xf32>,
    } else {
    }
    %iota3A = tpu.iota {dimensions = array<i32: 1>} : vector<3000x256xi32>
    %get3A = arith.constant 0 : index
    %get3A_2 = arith.constant 0 : index
    %get3A_3 = vector.load %arg1[%get3A, %get3A_2] : memref<3000x1xi32, #tpu.memory_space<vmem>>, vector<3000x1xi32>
    %eq3A_4 = vector.broadcast %get3A_3 : vector<3000x1xi32> to vector<3000x256xi32>
    %eq3A_5 = arith.cmpi eq, %eq3A_4, %iota3A : vector<3000x256xi32>
    %get3A_6 = arith.constant 0 : index
    %get3A_7 = arith.constant 0 : index
    %get3A_8 = vector.load %arg2[%get3A_6, %get3A_7] : memref<3000x1xf32, #tpu.memory_space<vmem>>, vector<3000x1xf32>
    %jit3A = arith.constant -1.000000e+00 : f32
    %broadcast_in_dim3A = vector.shape_cast %get3A_8 : vector<3000x1xf32> to vector<3000x1xf32>
    %broadcast_in_dim3A_9 = vector.broadcast %broadcast_in_dim3A : vector<3000x1xf32> to vector<3000x256xf32>
    %broadcast_in_dim3A_10 = vector.broadcast %jit3A : f32 to vector<3000x256xf32>
    %select_n3A = arith.select %eq3A_5, %broadcast_in_dim3A_9, %broadcast_in_dim3A_10 : vector<3000x256xi1>, vector<3000x256xf32>
    %get3A_11 = arith.constant 0 : index
    %get3A_12 = arith.constant 0 : index
    %get3A_13 = vector.load %arg3[%get3A_11, %get3A_12] : memref<1x256xf32, #tpu.memory_space<vmem>>, vector<1x256xf32>
    %reduce_max3A = arith.constant dense<0xFF800000> : vector<256xf32>
    %reduce_max3A_14 = vector.multi_reduction <maximumf>, %select_n3A, %reduce_max3A [0] : vector<3000x256xf32> to vector<256xf32>
    %broadcast_in_dim3A_15 = vector.shape_cast %reduce_max3A_14 : vector<256xf32> to vector<1x256xf32>
    %max3A = arith.maximumf %get3A_13, %broadcast_in_dim3A_15 : vector<1x256xf32>
    %swap3A = arith.constant 0 : index
    %swap3A_16 = arith.constant 0 : index
    %swap3A_17 = vector.load %arg3[%swap3A, %swap3A_16] : memref<1x256xf32, #tpu.memory_space<vmem>>, vector<1x256xf32>
    tpu.vector_store %arg3[%swap3A, %swap3A_16], %max3A {strides = array<i32>} : memref<1x256xf32, #tpu.memory_space<vmem>>, vector<1x256xf32>,
    return
  }
  func.func @transform_0(%arg0: i32) -> (i32, i32) {
    %c0_i32 = arith.constant 0 : i32
    %c0_i32_0 = arith.constant 0 : i32
    return %arg0, %c0_i32 : i32, i32
  }
  func.func @transform_1(%arg0: i32) -> (i32, i32) {
    %c0_i32 = arith.constant 0 : i32
    %c0_i32_0 = arith.constant 0 : i32
    return %arg0, %c0_i32 : i32, i32
  }
  func.func @transform_2(%arg0: i32) -> (i32, i32) {
    %c0_i32 = arith.constant 0 : i32
    %c0_i32_0 = arith.constant 0 : i32
    %c0_i32_1 = arith.constant 0 : i32
    return %c0_i32, %c0_i32_0 : i32, i32
  }
}

module attributes {stable_mosaic.version = 14 : i64} {
  func.func @_argmin_kernel(%arg0: i32, %arg1: memref<3000x1xi32, #tpu.memory_space<vmem>>, %arg2: memref<3000x1xf32, #tpu.memory_space<vmem>>, %arg3: memref<1x256xf32, #tpu.memory_space<vmem>>, %arg4: memref<1x256xi32, #tpu.memory_space<vmem>>) attributes {dimension_semantics = [#tpu.dimension_semantics<arbitrary>], iteration_bounds = array<i64: 10>, scalar_prefetch = 0 : i64, scratch_operands = 0 : i64, tpu.core_type = #tpu.core_type<tc>, window_params = [{transform_indices = @transform_0, window_bounds = array<i64: 3000, 1>}, {transform_indices = @transform_1, window_bounds = array<i64: 3000, 1>}, {pipeline_mode = #tpu.pipeline_mode<synchronous>, transform_indices = @transform_2, window_bounds = array<i64: 1, 256>}, {pipeline_mode = #tpu.pipeline_mode<synchronous>, transform_indices = @transform_3, window_bounds = array<i64: 1, 256>}]} {
    %eq3A = arith.constant 0 : i32
    %eq3A_0 = arith.cmpi eq, %arg0, %eq3A : i32
    %convert_element_type3A = arith.extui %eq3A_0 : i1 to i32
    %cond3A = arith.constant 0 : i32
    %cond3A_1 = arith.cmpi ne, %convert_element_type3A, %cond3A : i32
    scf.if %cond3A_1 {
      %broadcast_in_dim3A_26 = arith.constant 30000 : i32
      %broadcast_in_dim3A_27 = vector.broadcast %broadcast_in_dim3A_26 : i32 to vector<1x256xi32>
      %swap3A_28 = arith.constant 0 : index
      %swap3A_29 = arith.constant 0 : index
      %swap3A_30 = vector.load %arg4[%swap3A_28, %swap3A_29] : memref<1x256xi32, #tpu.memory_space<vmem>>, vector<1x256xi32>
      tpu.vector_store %arg4[%swap3A_28, %swap3A_29], %broadcast_in_dim3A_27 {strides = array<i32>} : memref<1x256xi32, #tpu.memory_space<vmem>>, vector<1x256xi32>,
    } else {
    }
    %iota3A = tpu.iota {dimensions = array<i32: 1>} : vector<3000x256xi32>
    %iota3A_2 = tpu.iota {dimensions = array<i32: 0>} : vector<3000x1xi32>
    %mul3A = arith.constant 3000 : i32
    %mul3A_3 = arith.muli %arg0, %mul3A : i32
    %add3A = vector.broadcast %mul3A_3 : i32 to vector<3000x1xi32>
    %add3A_4 = arith.addi %add3A, %iota3A_2 : vector<3000x1xi32>
    %get3A = arith.constant 0 : index
    %get3A_5 = arith.constant 0 : index
    %get3A_6 = vector.load %arg1[%get3A, %get3A_5] : memref<3000x1xi32, #tpu.memory_space<vmem>>, vector<3000x1xi32>
    %eq3A_7 = vector.broadcast %get3A_6 : vector<3000x1xi32> to vector<3000x256xi32>
    %eq3A_8 = arith.cmpi eq, %eq3A_7, %iota3A : vector<3000x256xi32>
    %get3A_9 = arith.constant 0 : index
    %get3A_10 = arith.constant 0 : index
    %get3A_11 = vector.load %arg2[%get3A_9, %get3A_10] : memref<3000x1xf32, #tpu.memory_space<vmem>>, vector<3000x1xf32>
    %get3A_12 = arith.constant 0 : index
    %get3A_13 = arith.constant 0 : index
    %get3A_14 = vector.load %arg3[%get3A_12, %get3A_13] : memref<1x256xf32, #tpu.memory_space<vmem>>, vector<1x256xf32>
    %ge3A = vector.broadcast %get3A_11 : vector<3000x1xf32> to vector<3000x256xf32>
    %ge3A_15 = vector.broadcast %get3A_14 : vector<1x256xf32> to vector<3000x256xf32>
    %ge3A_16 = arith.cmpf oge, %ge3A, %ge3A_15 : vector<3000x256xf32>
    %and3A = arith.andi %eq3A_8, %ge3A_16 : vector<3000x256xi1>
    %jit3A = arith.constant 30000 : i32
    %broadcast_in_dim3A = vector.shape_cast %add3A_4 : vector<3000x1xi32> to vector<3000x1xi32>
    %broadcast_in_dim3A_17 = vector.broadcast %broadcast_in_dim3A : vector<3000x1xi32> to vector<3000x256xi32>
    %broadcast_in_dim3A_18 = vector.broadcast %jit3A : i32 to vector<3000x256xi32>
    %select_n3A = arith.select %and3A, %broadcast_in_dim3A_17, %broadcast_in_dim3A_18 : vector<3000x256xi1>, vector<3000x256xi32>
    %get3A_19 = arith.constant 0 : index
    %get3A_20 = arith.constant 0 : index
    %get3A_21 = vector.load %arg4[%get3A_19, %get3A_20] : memref<1x256xi32, #tpu.memory_space<vmem>>, vector<1x256xi32>
    %reduce_min3A = arith.constant dense<2147483647> : vector<256xi32>
    %reduce_min3A_22 = vector.multi_reduction <minsi>, %select_n3A, %reduce_min3A [0] : vector<3000x256xi32> to vector<256xi32>
    %broadcast_in_dim3A_23 = vector.shape_cast %reduce_min3A_22 : vector<256xi32> to vector<1x256xi32>
    %min3A = arith.minsi %get3A_21, %broadcast_in_dim3A_23 : vector<1x256xi32>
    %swap3A = arith.constant 0 : index
    %swap3A_24 = arith.constant 0 : index
    %swap3A_25 = vector.load %arg4[%swap3A, %swap3A_24] : memref<1x256xi32, #tpu.memory_space<vmem>>, vector<1x256xi32>
    tpu.vector_store %arg4[%swap3A, %swap3A_24], %min3A {strides = array<i32>} : memref<1x256xi32, #tpu.memory_space<vmem>>, vector<1x256xi32>,
    return
  }
  func.func @transform_0(%arg0: i32) -> (i32, i32) {
    %c0_i32 = arith.constant 0 : i32
    %c0_i32_0 = arith.constant 0 : i32
    return %arg0, %c0_i32 : i32, i32
  }
  func.func @transform_1(%arg0: i32) -> (i32, i32) {
    %c0_i32 = arith.constant 0 : i32
    %c0_i32_0 = arith.constant 0 : i32
    return %arg0, %c0_i32 : i32, i32
  }
  func.func @transform_2(%arg0: i32) -> (i32, i32) {
    %c0_i32 = arith.constant 0 : i32
    %c0_i32_0 = arith.constant 0 : i32
    %c0_i32_1 = arith.constant 0 : i32
    return %c0_i32, %c0_i32_0 : i32, i32
  }
  func.func @transform_3(%arg0: i32) -> (i32, i32) {
    %c0_i32 = arith.constant 0 : i32
    %c0_i32_0 = arith.constant 0 : i32
    %c0_i32_1 = arith.constant 0 : i32
    return %c0_i32, %c0_i32_0 : i32, i32
  }
}

module attributes {stable_mosaic.version = 14 : i64} {
  func.func @_hit_kernel(%arg0: i32, %arg1: memref<5000x3xf32, #tpu.memory_space<vmem>>, %arg2: memref<5000x1xf32, #tpu.memory_space<vmem>>, %arg3: memref<5000x1xi32, #tpu.memory_space<vmem>>, %arg4: memref<5000x1xi32, #tpu.memory_space<vmem>>, %arg5: memref<5000x4xf32, #tpu.memory_space<vmem>>, %arg6: memref<3x256xf32, #tpu.memory_space<vmem>>, %arg7: memref<1x256xf32, #tpu.memory_space<vmem>>, %arg8: memref<1x256xf32, #tpu.memory_space<vmem>>, %arg9: memref<1x128xf32, #tpu.memory_space<vmem>>) attributes {dimension_semantics = [#tpu.dimension_semantics<arbitrary>], iteration_bounds = array<i64: 10>, scalar_prefetch = 0 : i64, scratch_operands = 0 : i64, tpu.core_type = #tpu.core_type<tc>, window_params = [{transform_indices = @transform_0, window_bounds = array<i64: 5000, 3>}, {transform_indices = @transform_1, window_bounds = array<i64: 5000, 1>}, {transform_indices = @transform_2, window_bounds = array<i64: 5000, 1>}, {transform_indices = @transform_3, window_bounds = array<i64: 5000, 1>}, {transform_indices = @transform_4, window_bounds = array<i64: 5000, 4>}, {pipeline_mode = #tpu.pipeline_mode<synchronous>, transform_indices = @transform_5, window_bounds = array<i64: 3, 256>}, {pipeline_mode = #tpu.pipeline_mode<synchronous>, transform_indices = @transform_6, window_bounds = array<i64: 1, 256>}, {pipeline_mode = #tpu.pipeline_mode<synchronous>, transform_indices = @transform_7, window_bounds = array<i64: 1, 256>}, {pipeline_mode = #tpu.pipeline_mode<synchronous>, transform_indices = @transform_8, window_bounds = array<i64: 1, 128>}]} {
    %eq3A = arith.constant 0 : i32
    %eq3A_0 = arith.cmpi eq, %arg0, %eq3A : i32
    %convert_element_type3A = arith.extui %eq3A_0 : i1 to i32
    %cond3A = arith.constant 0 : i32
    %cond3A_1 = arith.cmpi ne, %convert_element_type3A, %cond3A : i32
    scf.if %cond3A_1 {
      %broadcast_in_dim3A_203 = arith.constant 0.000000e+00 : f32
      %broadcast_in_dim3A_204 = vector.broadcast %broadcast_in_dim3A_203 : f32 to vector<1x128xf32>
      %swap3A_205 = arith.constant 0 : index
      %swap3A_206 = arith.constant 0 : index
      %swap3A_207 = vector.load %arg9[%swap3A_205, %swap3A_206] : memref<1x128xf32, #tpu.memory_space<vmem>>, vector<1x128xf32>
      tpu.vector_store %arg9[%swap3A_205, %swap3A_206], %broadcast_in_dim3A_204 {strides = array<i32>} : memref<1x128xf32, #tpu.memory_space<vmem>>, vector<1x128xf32>,
    } else {
    }
    %get3A = arith.constant 0 : index
    %get3A_2 = arith.constant 0 : index
    %get3A_3 = vector.load %arg2[%get3A, %get3A_2] : memref<5000x1xf32, #tpu.memory_space<vmem>>, vector<5000x1xf32>
    %add3A = arith.constant 1.000000e+00 : f32
    %add3A_4 = vector.broadcast %add3A : f32 to vector<5000x1xf32>
    %add3A_5 = arith.addf %add3A_4, %get3A_3 : vector<5000x1xf32>
    %sub3A = arith.constant 1.000000e+00 : f32
    %sub3A_6 = vector.broadcast %sub3A : f32 to vector<5000x1xf32>
    %sub3A_7 = arith.subf %sub3A_6, %get3A_3 : vector<5000x1xf32>
    %div3A = arith.divf %add3A_5, %sub3A_7 : vector<5000x1xf32>
    %log3A = math.log %div3A : vector<5000x1xf32>
    %mul3A = arith.constant 5.000000e-01 : f32
    %mul3A_8 = vector.broadcast %mul3A : f32 to vector<5000x1xf32>
    %mul3A_9 = arith.mulf %mul3A_8, %log3A : vector<5000x1xf32>
    %mul3A_10 = arith.mulf %mul3A_9, %mul3A_9 : vector<5000x1xf32>
    %add3A_11 = arith.constant 5.000000e-01 : f32
    %add3A_12 = vector.broadcast %add3A_11 : f32 to vector<5000x1xf32>
    %add3A_13 = arith.addf %mul3A_10, %add3A_12 : vector<5000x1xf32>
    %get3A_14 = arith.constant 0 : index
    %get3A_15 = arith.constant 0 : index
    %get3A_16 = vector.load %arg7[%get3A_14, %get3A_15] : memref<1x256xf32, #tpu.memory_space<vmem>>, vector<1x256xf32>
    %add3A_17 = arith.constant 1.000000e+00 : f32
    %add3A_18 = vector.broadcast %add3A_17 : f32 to vector<1x256xf32>
    %add3A_19 = arith.addf %add3A_18, %get3A_16 : vector<1x256xf32>
    %sub3A_20 = arith.constant 1.000000e+00 : f32
    %sub3A_21 = vector.broadcast %sub3A_20 : f32 to vector<1x256xf32>
    %sub3A_22 = arith.subf %sub3A_21, %get3A_16 : vector<1x256xf32>
    %div3A_23 = arith.divf %add3A_19, %sub3A_22 : vector<1x256xf32>
    %log3A_24 = math.log %div3A_23 : vector<1x256xf32>
    %mul3A_25 = arith.constant 5.000000e-01 : f32
    %mul3A_26 = vector.broadcast %mul3A_25 : f32 to vector<1x256xf32>
    %mul3A_27 = arith.mulf %mul3A_26, %log3A_24 : vector<1x256xf32>
    %mul3A_28 = arith.mulf %mul3A_27, %mul3A_27 : vector<1x256xf32>
    %add3A_29 = arith.constant 5.000000e-01 : f32
    %add3A_30 = vector.broadcast %add3A_29 : f32 to vector<1x256xf32>
    %add3A_31 = arith.addf %mul3A_28, %add3A_30 : vector<1x256xf32>
    %broadcast_in_dim3A = arith.constant 0.000000e+00 : f32
    %broadcast_in_dim3A_32 = vector.broadcast %broadcast_in_dim3A : f32 to vector<5000x256xf32>
    %get3A_33 = arith.constant 0 : index
    %get3A_34 = arith.constant 0 : index
    %get3A_35 = vector.load %arg1[%get3A_33, %get3A_34] : memref<5000x3xf32, #tpu.memory_space<vmem>>, vector<5000x1xf32>
    %get3A_36 = arith.constant 0 : index
    %get3A_37 = arith.constant 0 : index
    %get3A_38 = vector.load %arg6[%get3A_36, %get3A_37] : memref<3x256xf32, #tpu.memory_space<vmem>>, vector<1x256xf32>
    %sub3A_39 = vector.broadcast %get3A_35 : vector<5000x1xf32> to vector<5000x256xf32>
    %sub3A_40 = vector.broadcast %get3A_38 : vector<1x256xf32> to vector<5000x256xf32>
    %sub3A_41 = arith.subf %sub3A_39, %sub3A_40 : vector<5000x256xf32>
    %mul3A_42 = arith.mulf %sub3A_41, %sub3A_41 : vector<5000x256xf32>
    %add3A_43 = arith.addf %broadcast_in_dim3A_32, %mul3A_42 : vector<5000x256xf32>
    %get3A_44 = arith.constant 0 : index
    %get3A_45 = arith.constant 1 : index
    %get3A_46 = vector.load %arg1[%get3A_44, %get3A_45] : memref<5000x3xf32, #tpu.memory_space<vmem>>, vector<5000x1xf32>
    %get3A_47 = arith.constant 1 : index
    %get3A_48 = arith.constant 0 : index
    %get3A_49 = vector.load %arg6[%get3A_47, %get3A_48] : memref<3x256xf32, #tpu.memory_space<vmem>>, vector<1x256xf32>
    %sub3A_50 = vector.broadcast %get3A_46 : vector<5000x1xf32> to vector<5000x256xf32>
    %sub3A_51 = vector.broadcast %get3A_49 : vector<1x256xf32> to vector<5000x256xf32>
    %sub3A_52 = arith.subf %sub3A_50, %sub3A_51 : vector<5000x256xf32>
    %mul3A_53 = arith.mulf %sub3A_52, %sub3A_52 : vector<5000x256xf32>
    %add3A_54 = arith.addf %add3A_43, %mul3A_53 : vector<5000x256xf32>
    %get3A_55 = arith.constant 0 : index
    %get3A_56 = arith.constant 2 : index
    %get3A_57 = vector.load %arg1[%get3A_55, %get3A_56] : memref<5000x3xf32, #tpu.memory_space<vmem>>, vector<5000x1xf32>
    %get3A_58 = arith.constant 2 : index
    %get3A_59 = arith.constant 0 : index
    %get3A_60 = vector.load %arg6[%get3A_58, %get3A_59] : memref<3x256xf32, #tpu.memory_space<vmem>>, vector<1x256xf32>
    %sub3A_61 = vector.broadcast %get3A_57 : vector<5000x1xf32> to vector<5000x256xf32>
    %sub3A_62 = vector.broadcast %get3A_60 : vector<1x256xf32> to vector<5000x256xf32>
    %sub3A_63 = arith.subf %sub3A_61, %sub3A_62 : vector<5000x256xf32>
    %mul3A_64 = arith.mulf %sub3A_63, %sub3A_63 : vector<5000x256xf32>
    %add3A_65 = arith.addf %add3A_54, %mul3A_64 : vector<5000x256xf32>
    %sub3A_66 = arith.constant 1.000000e+00 : f32
    %sub3A_67 = vector.broadcast %sub3A_66 : f32 to vector<5000x256xf32>
    %sub3A_68 = arith.subf %sub3A_67, %add3A_65 : vector<5000x256xf32>
    %max3A = arith.constant 0.000000e+00 : f32
    %max3A_69 = vector.broadcast %max3A : f32 to vector<5000x256xf32>
    %max3A_70 = arith.maximumf %sub3A_68, %max3A_69 : vector<5000x256xf32>
    %mul3A_71 = vector.broadcast %add3A_31 : vector<1x256xf32> to vector<5000x256xf32>
    %mul3A_72 = arith.mulf %max3A_70, %mul3A_71 : vector<5000x256xf32>
    %reduce_sum3A = arith.constant dense<0.000000e+00> : vector<5000xf32>
    %reduce_sum3A_73 = vector.multi_reduction <add>, %mul3A_72, %reduce_sum3A [1] : vector<5000x256xf32> to vector<5000xf32>
    %broadcast_in_dim3A_74 = vector.shape_cast %reduce_sum3A_73 : vector<5000xf32> to vector<5000x1xf32>
    %mul3A_75 = arith.mulf %broadcast_in_dim3A_74, %add3A_13 : vector<5000x1xf32>
    %reduce_sum3A_76 = vector.shape_cast %mul3A_75 : vector<5000x1xf32> to vector<1x5000x1xf32>
    %reduce_sum3A_77 = arith.constant dense<0.000000e+00> : vector<1xf32>
    %reduce_sum3A_78 = vector.multi_reduction <add>, %reduce_sum3A_76, %reduce_sum3A_77 [1, 2] : vector<1x5000x1xf32> to vector<1xf32>
    %reduce_sum3A_79 = vector.shape_cast %reduce_sum3A_78 : vector<1xf32> to vector<1x1x1xf32>
    %reduce_sum3A_80 = vector.extract %reduce_sum3A_79[0, 0, 0] : f32 from vector<1x1x1xf32>
    %get3A_81 = arith.constant 0 : index
    %get3A_82 = arith.constant 0 : index
    %get3A_83 = vector.load %arg3[%get3A_81, %get3A_82] : memref<5000x1xi32, #tpu.memory_space<vmem>>, vector<5000x1xi32>
    %eq3A_84 = arith.constant -1 : i32
    %eq3A_85 = vector.broadcast %eq3A_84 : i32 to vector<5000x1xi32>
    %eq3A_86 = arith.cmpi eq, %get3A_83, %eq3A_85 : vector<5000x1xi32>
    %get3A_87 = arith.constant 0 : index
    %get3A_88 = arith.constant 0 : index
    %get3A_89 = vector.load %arg4[%get3A_87, %get3A_88] : memref<5000x1xi32, #tpu.memory_space<vmem>>, vector<5000x1xi32>
    %ge3A = arith.constant 0 : i32
    %ge3A_90 = vector.broadcast %ge3A : i32 to vector<5000x1xi32>
    %ge3A_91 = arith.cmpi sge, %get3A_89, %ge3A_90 : vector<5000x1xi32>
    %and3A = arith.andi %eq3A_86, %ge3A_91 : vector<5000x1xi1>
    %convert_element_type3A_92 = arith.extui %and3A : vector<5000x1xi1> to vector<5000x1xi32>
    %convert_element_type3A_93 = arith.sitofp %convert_element_type3A_92 : vector<5000x1xi32> to vector<5000x1xf32>
    %reduce_sum3A_94 = vector.shape_cast %convert_element_type3A_93 : vector<5000x1xf32> to vector<1x5000x1xf32>
    %reduce_sum3A_95 = arith.constant dense<0.000000e+00> : vector<1xf32>
    %reduce_sum3A_96 = vector.multi_reduction <add>, %reduce_sum3A_94, %reduce_sum3A_95 [1, 2] : vector<1x5000x1xf32> to vector<1xf32>
    %reduce_sum3A_97 = vector.shape_cast %reduce_sum3A_96 : vector<1xf32> to vector<1x1x1xf32>
    %reduce_sum3A_98 = vector.extract %reduce_sum3A_97[0, 0, 0] : f32 from vector<1x1x1xf32>
    %mul3A_99 = arith.mulf %convert_element_type3A_93, %get3A_3 : vector<5000x1xf32>
    %reduce_sum3A_100 = vector.shape_cast %mul3A_99 : vector<5000x1xf32> to vector<1x5000x1xf32>
    %reduce_sum3A_101 = arith.constant dense<0.000000e+00> : vector<1xf32>
    %reduce_sum3A_102 = vector.multi_reduction <add>, %reduce_sum3A_100, %reduce_sum3A_101 [1, 2] : vector<1x5000x1xf32> to vector<1xf32>
    %reduce_sum3A_103 = vector.shape_cast %reduce_sum3A_102 : vector<1xf32> to vector<1x1x1xf32>
    %reduce_sum3A_104 = vector.extract %reduce_sum3A_103[0, 0, 0] : f32 from vector<1x1x1xf32>
    %add3A_105 = arith.constant 1.000000e+00 : f32
    %add3A_106 = vector.broadcast %add3A_105 : f32 to vector<5000x1xf32>
    %add3A_107 = arith.addf %add3A_106, %get3A_3 : vector<5000x1xf32>
    %sub3A_108 = arith.constant 1.000000e+00 : f32
    %sub3A_109 = vector.broadcast %sub3A_108 : f32 to vector<5000x1xf32>
    %sub3A_110 = arith.subf %sub3A_109, %get3A_3 : vector<5000x1xf32>
    %div3A_111 = arith.divf %add3A_107, %sub3A_110 : vector<5000x1xf32>
    %log3A_112 = math.log %div3A_111 : vector<5000x1xf32>
    %mul3A_113 = arith.constant 5.000000e-01 : f32
    %mul3A_114 = vector.broadcast %mul3A_113 : f32 to vector<5000x1xf32>
    %mul3A_115 = arith.mulf %mul3A_114, %log3A_112 : vector<5000x1xf32>
    %mul3A_116 = arith.mulf %mul3A_115, %mul3A_115 : vector<5000x1xf32>
    %jit3A = arith.constant 0.000000e+00 : f32
    %broadcast_in_dim3A_117 = vector.broadcast %jit3A : f32 to vector<5000x1xf32>
    %select_n3A = arith.select %and3A, %broadcast_in_dim3A_117, %mul3A_116 : vector<5000x1xi1>, vector<5000x1xf32>
    %reduce_sum3A_118 = vector.shape_cast %select_n3A : vector<5000x1xf32> to vector<1x5000x1xf32>
    %reduce_sum3A_119 = arith.constant dense<0.000000e+00> : vector<1xf32>
    %reduce_sum3A_120 = vector.multi_reduction <add>, %reduce_sum3A_118, %reduce_sum3A_119 [1, 2] : vector<1x5000x1xf32> to vector<1xf32>
    %reduce_sum3A_121 = vector.shape_cast %reduce_sum3A_120 : vector<1xf32> to vector<1x1x1xf32>
    %reduce_sum3A_122 = vector.extract %reduce_sum3A_121[0, 0, 0] : f32 from vector<1x1x1xf32>
    %get3A_123 = arith.constant 0 : index
    %get3A_124 = arith.constant 0 : index
    %get3A_125 = vector.load %arg5[%get3A_123, %get3A_124] : memref<5000x4xf32, #tpu.memory_space<vmem>>, vector<5000x4xf32>
    %reduce_sum3A_126 = arith.constant dense<0.000000e+00> : vector<5000xf32>
    %reduce_sum3A_127 = vector.multi_reduction <add>, %get3A_125, %reduce_sum3A_126 [1] : vector<5000x4xf32> to vector<5000xf32>
    %broadcast_in_dim3A_128 = vector.shape_cast %reduce_sum3A_127 : vector<5000xf32> to vector<5000x1xf32>
    %mul3A_129 = arith.mulf %broadcast_in_dim3A_128, %select_n3A : vector<5000x1xf32>
    %reduce_sum3A_130 = vector.shape_cast %mul3A_129 : vector<5000x1xf32> to vector<1x5000x1xf32>
    %reduce_sum3A_131 = arith.constant dense<0.000000e+00> : vector<1xf32>
    %reduce_sum3A_132 = vector.multi_reduction <add>, %reduce_sum3A_130, %reduce_sum3A_131 [1, 2] : vector<1x5000x1xf32> to vector<1xf32>
    %reduce_sum3A_133 = vector.shape_cast %reduce_sum3A_132 : vector<1xf32> to vector<1x1x1xf32>
    %reduce_sum3A_134 = vector.extract %reduce_sum3A_133[0, 0, 0] : f32 from vector<1x1x1xf32>
    %eq3A_135 = arith.constant 0 : i32
    %eq3A_136 = arith.cmpi eq, %arg0, %eq3A_135 : i32
    %get3A_137 = arith.constant 0 : index
    %get3A_138 = arith.constant 0 : index
    %get3A_139 = vector.load %arg8[%get3A_137, %get3A_138] : memref<1x256xf32, #tpu.memory_space<vmem>>, vector<1x256xf32>
    %max3A_140 = arith.constant 0.000000e+00 : f32
    %max3A_141 = vector.broadcast %max3A_140 : f32 to vector<1x256xf32>
    %max3A_142 = arith.maximumf %get3A_139, %max3A_141 : vector<1x256xf32>
    %reduce_sum3A_143 = vector.shape_cast %max3A_142 : vector<1x256xf32> to vector<1x1x256xf32>
    %reduce_sum3A_144 = arith.constant dense<0.000000e+00> : vector<1xf32>
    %reduce_sum3A_145 = vector.multi_reduction <add>, %reduce_sum3A_143, %reduce_sum3A_144 [1, 2] : vector<1x1x256xf32> to vector<1xf32>
    %reduce_sum3A_146 = vector.shape_cast %reduce_sum3A_145 : vector<1xf32> to vector<1x1x1xf32>
    %reduce_sum3A_147 = vector.extract %reduce_sum3A_146[0, 0, 0] : f32 from vector<1x1x1xf32>
    %jit3A_148 = arith.constant 0.000000e+00 : f32
    %select_n3A_149 = arith.select %eq3A_136, %reduce_sum3A_147, %jit3A_148 : f32
    %iota3A = tpu.iota {dimensions = array<i32: 1>} : vector<1x128xi32>
    %eq3A_150 = arith.constant 0 : i32
    %eq3A_151 = vector.broadcast %eq3A_150 : i32 to vector<1x128xi32>
    %eq3A_152 = arith.cmpi eq, %iota3A, %eq3A_151 : vector<1x128xi32>
    %jit3A_153 = arith.constant 0.000000e+00 : f32
    %broadcast_in_dim3A_154 = vector.broadcast %reduce_sum3A_80 : f32 to vector<1x128xf32>
    %broadcast_in_dim3A_155 = vector.broadcast %jit3A_153 : f32 to vector<1x128xf32>
    %select_n3A_156 = arith.select %eq3A_152, %broadcast_in_dim3A_154, %broadcast_in_dim3A_155 : vector<1x128xi1>, vector<1x128xf32>
    %eq3A_157 = arith.constant 1 : i32
    %eq3A_158 = vector.broadcast %eq3A_157 : i32 to vector<1x128xi32>
    %eq3A_159 = arith.cmpi eq, %iota3A, %eq3A_158 : vector<1x128xi32>
    %jit3A_160 = arith.constant 0.000000e+00 : f32
    %broadcast_in_dim3A_161 = vector.broadcast %reduce_sum3A_98 : f32 to vector<1x128xf32>
    %broadcast_in_dim3A_162 = vector.broadcast %jit3A_160 : f32 to vector<1x128xf32>
    %select_n3A_163 = arith.select %eq3A_159, %broadcast_in_dim3A_161, %broadcast_in_dim3A_162 : vector<1x128xi1>, vector<1x128xf32>
    %add3A_164 = arith.addf %select_n3A_156, %select_n3A_163 : vector<1x128xf32>
    %eq3A_165 = arith.constant 2 : i32
    %eq3A_166 = vector.broadcast %eq3A_165 : i32 to vector<1x128xi32>
    %eq3A_167 = arith.cmpi eq, %iota3A, %eq3A_166 : vector<1x128xi32>
    %jit3A_168 = arith.constant 0.000000e+00 : f32
    %broadcast_in_dim3A_169 = vector.broadcast %reduce_sum3A_104 : f32 to vector<1x128xf32>
    %broadcast_in_dim3A_170 = vector.broadcast %jit3A_168 : f32 to vector<1x128xf32>
    %select_n3A_171 = arith.select %eq3A_167, %broadcast_in_dim3A_169, %broadcast_in_dim3A_170 : vector<1x128xi1>, vector<1x128xf32>
    %add3A_172 = arith.addf %add3A_164, %select_n3A_171 : vector<1x128xf32>
    %eq3A_173 = arith.constant 3 : i32
    %eq3A_174 = vector.broadcast %eq3A_173 : i32 to vector<1x128xi32>
    %eq3A_175 = arith.cmpi eq, %iota3A, %eq3A_174 : vector<1x128xi32>
    %jit3A_176 = arith.constant 0.000000e+00 : f32
    %broadcast_in_dim3A_177 = vector.broadcast %reduce_sum3A_122 : f32 to vector<1x128xf32>
    %broadcast_in_dim3A_178 = vector.broadcast %jit3A_176 : f32 to vector<1x128xf32>
    %select_n3A_179 = arith.select %eq3A_175, %broadcast_in_dim3A_177, %broadcast_in_dim3A_178 : vector<1x128xi1>, vector<1x128xf32>
    %add3A_180 = arith.addf %add3A_172, %select_n3A_179 : vector<1x128xf32>
    %eq3A_181 = arith.constant 4 : i32
    %eq3A_182 = vector.broadcast %eq3A_181 : i32 to vector<1x128xi32>
    %eq3A_183 = arith.cmpi eq, %iota3A, %eq3A_182 : vector<1x128xi32>
    %jit3A_184 = arith.constant 0.000000e+00 : f32
    %broadcast_in_dim3A_185 = vector.broadcast %reduce_sum3A_134 : f32 to vector<1x128xf32>
    %broadcast_in_dim3A_186 = vector.broadcast %jit3A_184 : f32 to vector<1x128xf32>
    %select_n3A_187 = arith.select %eq3A_183, %broadcast_in_dim3A_185, %broadcast_in_dim3A_186 : vector<1x128xi1>, vector<1x128xf32>
    %add3A_188 = arith.addf %add3A_180, %select_n3A_187 : vector<1x128xf32>
    %eq3A_189 = arith.constant 5 : i32
    %eq3A_190 = vector.broadcast %eq3A_189 : i32 to vector<1x128xi32>
    %eq3A_191 = arith.cmpi eq, %iota3A, %eq3A_190 : vector<1x128xi32>
    %jit3A_192 = arith.constant 0.000000e+00 : f32
    %broadcast_in_dim3A_193 = vector.broadcast %select_n3A_149 : f32 to vector<1x128xf32>
    %broadcast_in_dim3A_194 = vector.broadcast %jit3A_192 : f32 to vector<1x128xf32>
    %select_n3A_195 = arith.select %eq3A_191, %broadcast_in_dim3A_193, %broadcast_in_dim3A_194 : vector<1x128xi1>, vector<1x128xf32>
    %add3A_196 = arith.addf %add3A_188, %select_n3A_195 : vector<1x128xf32>
    %get3A_197 = arith.constant 0 : index
    %get3A_198 = arith.constant 0 : index
    %get3A_199 = vector.load %arg9[%get3A_197, %get3A_198] : memref<1x128xf32, #tpu.memory_space<vmem>>, vector<1x128xf32>
    %add3A_200 = arith.addf %get3A_199, %add3A_196 : vector<1x128xf32>
    %swap3A = arith.constant 0 : index
    %swap3A_201 = arith.constant 0 : index
    %swap3A_202 = vector.load %arg9[%swap3A, %swap3A_201] : memref<1x128xf32, #tpu.memory_space<vmem>>, vector<1x128xf32>
    tpu.vector_store %arg9[%swap3A, %swap3A_201], %add3A_200 {strides = array<i32>} : memref<1x128xf32, #tpu.memory_space<vmem>>, vector<1x128xf32>,
    return
  }
  func.func @transform_0(%arg0: i32) -> (i32, i32) {
    %c0_i32 = arith.constant 0 : i32
    %c0_i32_0 = arith.constant 0 : i32
    return %arg0, %c0_i32 : i32, i32
  }
  func.func @transform_1(%arg0: i32) -> (i32, i32) {
    %c0_i32 = arith.constant 0 : i32
    %c0_i32_0 = arith.constant 0 : i32
    return %arg0, %c0_i32 : i32, i32
  }
  func.func @transform_2(%arg0: i32) -> (i32, i32) {
    %c0_i32 = arith.constant 0 : i32
    %c0_i32_0 = arith.constant 0 : i32
    return %arg0, %c0_i32 : i32, i32
  }
  func.func @transform_3(%arg0: i32) -> (i32, i32) {
    %c0_i32 = arith.constant 0 : i32
    %c0_i32_0 = arith.constant 0 : i32
    return %arg0, %c0_i32 : i32, i32
  }
  func.func @transform_4(%arg0: i32) -> (i32, i32) {
    %c0_i32 = arith.constant 0 : i32
    %c0_i32_0 = arith.constant 0 : i32
    return %arg0, %c0_i32 : i32, i32
  }
  func.func @transform_5(%arg0: i32) -> (i32, i32) {
    %c0_i32 = arith.constant 0 : i32
    %c0_i32_0 = arith.constant 0 : i32
    %c0_i32_1 = arith.constant 0 : i32
    return %c0_i32, %c0_i32_0 : i32, i32
  }
  func.func @transform_6(%arg0: i32) -> (i32, i32) {
    %c0_i32 = arith.constant 0 : i32
    %c0_i32_0 = arith.constant 0 : i32
    %c0_i32_1 = arith.constant 0 : i32
    return %c0_i32, %c0_i32_0 : i32, i32
  }
  func.func @transform_7(%arg0: i32) -> (i32, i32) {
    %c0_i32 = arith.constant 0 : i32
    %c0_i32_0 = arith.constant 0 : i32
    %c0_i32_1 = arith.constant 0 : i32
    return %c0_i32, %c0_i32_0 : i32, i32
  }
  func.func @transform_8(%arg0: i32) -> (i32, i32) {
    %c0_i32 = arith.constant 0 : i32
    %c0_i32_0 = arith.constant 0 : i32
    %c0_i32_1 = arith.constant 0 : i32
    return %c0_i32, %c0_i32_0 : i32, i32
  }
}

module attributes {stable_mosaic.version = 14 : i64} {
  func.func @_edge_kernel(%arg0: i32, %arg1: memref<3000x1xi32, #tpu.memory_space<vmem>>, %arg2: memref<3000x3xf32, #tpu.memory_space<vmem>>, %arg3: memref<3000x1xf32, #tpu.memory_space<vmem>>, %arg4: memref<3000x1xf32, #tpu.memory_space<vmem>>, %arg5: memref<3x256xf32, #tpu.memory_space<vmem>>, %arg6: memref<1x256xf32, #tpu.memory_space<vmem>>, %arg7: memref<1x128xf32, #tpu.memory_space<vmem>>) attributes {dimension_semantics = [#tpu.dimension_semantics<arbitrary>], iteration_bounds = array<i64: 10>, scalar_prefetch = 0 : i64, scratch_operands = 0 : i64, tpu.core_type = #tpu.core_type<tc>, window_params = [{transform_indices = @transform_0, window_bounds = array<i64: 3000, 1>}, {transform_indices = @transform_1, window_bounds = array<i64: 3000, 3>}, {transform_indices = @transform_2, window_bounds = array<i64: 3000, 1>}, {transform_indices = @transform_3, window_bounds = array<i64: 3000, 1>}, {pipeline_mode = #tpu.pipeline_mode<synchronous>, transform_indices = @transform_4, window_bounds = array<i64: 3, 256>}, {pipeline_mode = #tpu.pipeline_mode<synchronous>, transform_indices = @transform_5, window_bounds = array<i64: 1, 256>}, {pipeline_mode = #tpu.pipeline_mode<synchronous>, transform_indices = @transform_6, window_bounds = array<i64: 1, 128>}]} {
    %eq3A = arith.constant 0 : i32
    %eq3A_0 = arith.cmpi eq, %arg0, %eq3A : i32
    %convert_element_type3A = arith.extui %eq3A_0 : i1 to i32
    %cond3A = arith.constant 0 : i32
    %cond3A_1 = arith.cmpi ne, %convert_element_type3A, %cond3A : i32
    scf.if %cond3A_1 {
      %broadcast_in_dim3A_113 = arith.constant 0.000000e+00 : f32
      %broadcast_in_dim3A_114 = vector.broadcast %broadcast_in_dim3A_113 : f32 to vector<1x128xf32>
      %swap3A_115 = arith.constant 0 : index
      %swap3A_116 = arith.constant 0 : index
      %swap3A_117 = vector.load %arg7[%swap3A_115, %swap3A_116] : memref<1x128xf32, #tpu.memory_space<vmem>>, vector<1x128xf32>
      tpu.vector_store %arg7[%swap3A_115, %swap3A_116], %broadcast_in_dim3A_114 {strides = array<i32>} : memref<1x128xf32, #tpu.memory_space<vmem>>, vector<1x128xf32>,
    } else {
    }
    %iota3A = tpu.iota {dimensions = array<i32: 1>} : vector<3000x256xi32>
    %get3A = arith.constant 0 : index
    %get3A_2 = arith.constant 0 : index
    %get3A_3 = vector.load %arg1[%get3A, %get3A_2] : memref<3000x1xi32, #tpu.memory_space<vmem>>, vector<3000x1xi32>
    %eq3A_4 = vector.broadcast %get3A_3 : vector<3000x1xi32> to vector<3000x256xi32>
    %eq3A_5 = arith.cmpi eq, %eq3A_4, %iota3A : vector<3000x256xi32>
    %broadcast_in_dim3A = arith.constant 0.000000e+00 : f32
    %broadcast_in_dim3A_6 = vector.broadcast %broadcast_in_dim3A : f32 to vector<3000x256xf32>
    %get3A_7 = arith.constant 0 : index
    %get3A_8 = arith.constant 0 : index
    %get3A_9 = vector.load %arg2[%get3A_7, %get3A_8] : memref<3000x3xf32, #tpu.memory_space<vmem>>, vector<3000x1xf32>
    %get3A_10 = arith.constant 0 : index
    %get3A_11 = arith.constant 0 : index
    %get3A_12 = vector.load %arg5[%get3A_10, %get3A_11] : memref<3x256xf32, #tpu.memory_space<vmem>>, vector<1x256xf32>
    %sub3A = vector.broadcast %get3A_9 : vector<3000x1xf32> to vector<3000x256xf32>
    %sub3A_13 = vector.broadcast %get3A_12 : vector<1x256xf32> to vector<3000x256xf32>
    %sub3A_14 = arith.subf %sub3A, %sub3A_13 : vector<3000x256xf32>
    %mul3A = arith.mulf %sub3A_14, %sub3A_14 : vector<3000x256xf32>
    %add3A = arith.addf %broadcast_in_dim3A_6, %mul3A : vector<3000x256xf32>
    %get3A_15 = arith.constant 0 : index
    %get3A_16 = arith.constant 1 : index
    %get3A_17 = vector.load %arg2[%get3A_15, %get3A_16] : memref<3000x3xf32, #tpu.memory_space<vmem>>, vector<3000x1xf32>
    %get3A_18 = arith.constant 1 : index
    %get3A_19 = arith.constant 0 : index
    %get3A_20 = vector.load %arg5[%get3A_18, %get3A_19] : memref<3x256xf32, #tpu.memory_space<vmem>>, vector<1x256xf32>
    %sub3A_21 = vector.broadcast %get3A_17 : vector<3000x1xf32> to vector<3000x256xf32>
    %sub3A_22 = vector.broadcast %get3A_20 : vector<1x256xf32> to vector<3000x256xf32>
    %sub3A_23 = arith.subf %sub3A_21, %sub3A_22 : vector<3000x256xf32>
    %mul3A_24 = arith.mulf %sub3A_23, %sub3A_23 : vector<3000x256xf32>
    %add3A_25 = arith.addf %add3A, %mul3A_24 : vector<3000x256xf32>
    %get3A_26 = arith.constant 0 : index
    %get3A_27 = arith.constant 2 : index
    %get3A_28 = vector.load %arg2[%get3A_26, %get3A_27] : memref<3000x3xf32, #tpu.memory_space<vmem>>, vector<3000x1xf32>
    %get3A_29 = arith.constant 2 : index
    %get3A_30 = arith.constant 0 : index
    %get3A_31 = vector.load %arg5[%get3A_29, %get3A_30] : memref<3x256xf32, #tpu.memory_space<vmem>>, vector<1x256xf32>
    %sub3A_32 = vector.broadcast %get3A_28 : vector<3000x1xf32> to vector<3000x256xf32>
    %sub3A_33 = vector.broadcast %get3A_31 : vector<1x256xf32> to vector<3000x256xf32>
    %sub3A_34 = arith.subf %sub3A_32, %sub3A_33 : vector<3000x256xf32>
    %mul3A_35 = arith.mulf %sub3A_34, %sub3A_34 : vector<3000x256xf32>
    %add3A_36 = arith.addf %add3A_25, %mul3A_35 : vector<3000x256xf32>
    %jit3A = arith.constant 0.000000e+00 : f32
    %broadcast_in_dim3A_37 = vector.broadcast %jit3A : f32 to vector<3000x256xf32>
    %select_n3A = arith.select %eq3A_5, %add3A_36, %broadcast_in_dim3A_37 : vector<3000x256xi1>, vector<3000x256xf32>
    %reduce_sum3A = arith.constant dense<0.000000e+00> : vector<3000xf32>
    %reduce_sum3A_38 = vector.multi_reduction <add>, %select_n3A, %reduce_sum3A [1] : vector<3000x256xf32> to vector<3000xf32>
    %broadcast_in_dim3A_39 = vector.shape_cast %reduce_sum3A_38 : vector<3000xf32> to vector<3000x1xf32>
    %get3A_40 = arith.constant 0 : index
    %get3A_41 = arith.constant 0 : index
    %get3A_42 = vector.load %arg6[%get3A_40, %get3A_41] : memref<1x256xf32, #tpu.memory_space<vmem>>, vector<1x256xf32>
    %add3A_43 = arith.constant 1.000000e+00 : f32
    %add3A_44 = vector.broadcast %add3A_43 : f32 to vector<1x256xf32>
    %add3A_45 = arith.addf %add3A_44, %get3A_42 : vector<1x256xf32>
    %sub3A_46 = arith.constant 1.000000e+00 : f32
    %sub3A_47 = vector.broadcast %sub3A_46 : f32 to vector<1x256xf32>
    %sub3A_48 = arith.subf %sub3A_47, %get3A_42 : vector<1x256xf32>
    %div3A = arith.divf %add3A_45, %sub3A_48 : vector<1x256xf32>
    %log3A = math.log %div3A : vector<1x256xf32>
    %mul3A_49 = arith.constant 5.000000e-01 : f32
    %mul3A_50 = vector.broadcast %mul3A_49 : f32 to vector<1x256xf32>
    %mul3A_51 = arith.mulf %mul3A_50, %log3A : vector<1x256xf32>
    %mul3A_52 = arith.mulf %mul3A_51, %mul3A_51 : vector<1x256xf32>
    %add3A_53 = arith.constant 5.000000e-01 : f32
    %add3A_54 = vector.broadcast %add3A_53 : f32 to vector<1x256xf32>
    %add3A_55 = arith.addf %mul3A_52, %add3A_54 : vector<1x256xf32>
    %jit3A_56 = arith.constant 0.000000e+00 : f32
    %broadcast_in_dim3A_57 = vector.shape_cast %add3A_55 : vector<1x256xf32> to vector<1x256xf32>
    %broadcast_in_dim3A_58 = vector.broadcast %broadcast_in_dim3A_57 : vector<1x256xf32> to vector<3000x256xf32>
    %broadcast_in_dim3A_59 = vector.broadcast %jit3A_56 : f32 to vector<3000x256xf32>
    %select_n3A_60 = arith.select %eq3A_5, %broadcast_in_dim3A_58, %broadcast_in_dim3A_59 : vector<3000x256xi1>, vector<3000x256xf32>
    %reduce_sum3A_61 = arith.constant dense<0.000000e+00> : vector<3000xf32>
    %reduce_sum3A_62 = vector.multi_reduction <add>, %select_n3A_60, %reduce_sum3A_61 [1] : vector<3000x256xf32> to vector<3000xf32>
    %broadcast_in_dim3A_63 = vector.shape_cast %reduce_sum3A_62 : vector<3000xf32> to vector<3000x1xf32>
    %get3A_64 = arith.constant 0 : index
    %get3A_65 = arith.constant 0 : index
    %get3A_66 = vector.load %arg3[%get3A_64, %get3A_65] : memref<3000x1xf32, #tpu.memory_space<vmem>>, vector<3000x1xf32>
    %add3A_67 = arith.constant 1.000000e+00 : f32
    %add3A_68 = vector.broadcast %add3A_67 : f32 to vector<3000x1xf32>
    %add3A_69 = arith.addf %add3A_68, %get3A_66 : vector<3000x1xf32>
    %sub3A_70 = arith.constant 1.000000e+00 : f32
    %sub3A_71 = vector.broadcast %sub3A_70 : f32 to vector<3000x1xf32>
    %sub3A_72 = arith.subf %sub3A_71, %get3A_66 : vector<3000x1xf32>
    %div3A_73 = arith.divf %add3A_69, %sub3A_72 : vector<3000x1xf32>
    %log3A_74 = math.log %div3A_73 : vector<3000x1xf32>
    %mul3A_75 = arith.constant 5.000000e-01 : f32
    %mul3A_76 = vector.broadcast %mul3A_75 : f32 to vector<3000x1xf32>
    %mul3A_77 = arith.mulf %mul3A_76, %log3A_74 : vector<3000x1xf32>
    %mul3A_78 = arith.mulf %mul3A_77, %mul3A_77 : vector<3000x1xf32>
    %add3A_79 = arith.constant 5.000000e-01 : f32
    %add3A_80 = vector.broadcast %add3A_79 : f32 to vector<3000x1xf32>
    %add3A_81 = arith.addf %mul3A_78, %add3A_80 : vector<3000x1xf32>
    %get3A_82 = arith.constant 0 : index
    %get3A_83 = arith.constant 0 : index
    %get3A_84 = vector.load %arg4[%get3A_82, %get3A_83] : memref<3000x1xf32, #tpu.memory_space<vmem>>, vector<3000x1xf32>
    %mul3A_85 = arith.mulf %get3A_84, %add3A_81 : vector<3000x1xf32>
    %mul3A_86 = arith.mulf %mul3A_85, %broadcast_in_dim3A_63 : vector<3000x1xf32>
    %sub3A_87 = arith.constant 1.000000e+00 : f32
    %sub3A_88 = vector.broadcast %sub3A_87 : f32 to vector<3000x1xf32>
    %sub3A_89 = arith.subf %sub3A_88, %broadcast_in_dim3A_39 : vector<3000x1xf32>
    %max3A = arith.constant 0.000000e+00 : f32
    %max3A_90 = vector.broadcast %max3A : f32 to vector<3000x1xf32>
    %max3A_91 = arith.maximumf %sub3A_89, %max3A_90 : vector<3000x1xf32>
    %sub3A_92 = arith.subf %broadcast_in_dim3A_39, %max3A_91 : vector<3000x1xf32>
    %mul3A_93 = arith.mulf %mul3A_86, %sub3A_92 : vector<3000x1xf32>
    %reduce_sum3A_94 = vector.shape_cast %mul3A_93 : vector<3000x1xf32> to vector<1x3000x1xf32>
    %reduce_sum3A_95 = arith.constant dense<0.000000e+00> : vector<1xf32>
    %reduce_sum3A_96 = vector.multi_reduction <add>, %reduce_sum3A_94, %reduce_sum3A_95 [1, 2] : vector<1x3000x1xf32> to vector<1xf32>
    %reduce_sum3A_97 = vector.shape_cast %reduce_sum3A_96 : vector<1xf32> to vector<1x1x1xf32>
    %reduce_sum3A_98 = vector.extract %reduce_sum3A_97[0, 0, 0] : f32 from vector<1x1x1xf32>
    %iota3A_99 = tpu.iota {dimensions = array<i32: 1>} : vector<1x128xi32>
    %get3A_100 = arith.constant 0 : index
    %get3A_101 = arith.constant 0 : index
    %get3A_102 = vector.load %arg7[%get3A_100, %get3A_101] : memref<1x128xf32, #tpu.memory_space<vmem>>, vector<1x128xf32>
    %eq3A_103 = arith.constant 0 : i32
    %eq3A_104 = vector.broadcast %eq3A_103 : i32 to vector<1x128xi32>
    %eq3A_105 = arith.cmpi eq, %iota3A_99, %eq3A_104 : vector<1x128xi32>
    %jit3A_106 = arith.constant 0.000000e+00 : f32
    %broadcast_in_dim3A_107 = vector.broadcast %reduce_sum3A_98 : f32 to vector<1x128xf32>
    %broadcast_in_dim3A_108 = vector.broadcast %jit3A_106 : f32 to vector<1x128xf32>
    %select_n3A_109 = arith.select %eq3A_105, %broadcast_in_dim3A_107, %broadcast_in_dim3A_108 : vector<1x128xi1>, vector<1x128xf32>
    %add3A_110 = arith.addf %get3A_102, %select_n3A_109 : vector<1x128xf32>
    %swap3A = arith.constant 0 : index
    %swap3A_111 = arith.constant 0 : index
    %swap3A_112 = vector.load %arg7[%swap3A, %swap3A_111] : memref<1x128xf32, #tpu.memory_space<vmem>>, vector<1x128xf32>
    tpu.vector_store %arg7[%swap3A, %swap3A_111], %add3A_110 {strides = array<i32>} : memref<1x128xf32, #tpu.memory_space<vmem>>, vector<1x128xf32>,
    return
  }
  func.func @transform_0(%arg0: i32) -> (i32, i32) {
    %c0_i32 = arith.constant 0 : i32
    %c0_i32_0 = arith.constant 0 : i32
    return %arg0, %c0_i32 : i32, i32
  }
  func.func @transform_1(%arg0: i32) -> (i32, i32) {
    %c0_i32 = arith.constant 0 : i32
    %c0_i32_0 = arith.constant 0 : i32
    return %arg0, %c0_i32 : i32, i32
  }
  func.func @transform_2(%arg0: i32) -> (i32, i32) {
    %c0_i32 = arith.constant 0 : i32
    %c0_i32_0 = arith.constant 0 : i32
    return %arg0, %c0_i32 : i32, i32
  }
  func.func @transform_3(%arg0: i32) -> (i32, i32) {
    %c0_i32 = arith.constant 0 : i32
    %c0_i32_0 = arith.constant 0 : i32
    return %arg0, %c0_i32 : i32, i32
  }
  func.func @transform_4(%arg0: i32) -> (i32, i32) {
    %c0_i32 = arith.constant 0 : i32
    %c0_i32_0 = arith.constant 0 : i32
    %c0_i32_1 = arith.constant 0 : i32
    return %c0_i32, %c0_i32_0 : i32, i32
  }
  func.func @transform_5(%arg0: i32) -> (i32, i32) {
    %c0_i32 = arith.constant 0 : i32
    %c0_i32_0 = arith.constant 0 : i32
    %c0_i32_1 = arith.constant 0 : i32
    return %c0_i32, %c0_i32_0 : i32, i32
  }
  func.func @transform_6(%arg0: i32) -> (i32, i32) {
    %c0_i32 = arith.constant 0 : i32
    %c0_i32_0 = arith.constant 0 : i32
    %c0_i32_1 = arith.constant 0 : i32
    return %c0_i32, %c0_i32_0 : i32, i32
  }
}

</mosaic_0001>

<sc_bundles>
// kernel: gather_offload_async_start.1
scs
__scs_entry_jumppad:
0x0: {  	(pc) =	sbr.rel $0x88, $3  }
0x1: {  	(tag) =	ssettag $0x0;
	lr =	simm.s32 $0x1  }
0x2: {  	[smem:$0x3F9A] =	sst lr;
	_ =	strace $0xD0000000  }
0x3: {  	_ = 	snop  }
0x4: {  	_ = 	snop  }
0x5: {  	_ = 	snop  }
0x6: {  	_ = 	snop  }
0x7: {  	_ = 	snop  }
__scs_overlays_trampoline_lowered:
0x8: {  	[smem:$0x3FA9] =	sst s0  }
0x9: {  	[smem:$0x3FAA] =	sst s1  }
0xa: {  	[smem:$0x3FAB] =	sst s2  }
0xb: {  	[smem:$0x3FAC] =	sst s3  }
0xc: {  	[smem:$0x3FAD] =	sst s4  }
0xd: {  	[smem:$0x3FAE] =	sst s5  }
0xe: {  	[smem:$0x3FAF] =	sst s6  }
0xf: {  	[smem:$0x3FB0] =	sst s7  }
0x10: {  	[smem:$0x3FB1] =	sst s8  }
0x11: {  	[smem:$0x3FB2] =	sst s9;
	s0 =	simm.s32 @!p0 $0x0  }
0x12: {  	s1 =	sld [smem:$0x3F98];
	s0 =	simm.s32 @p0 $0x1  }
0x13: {  	[smem:$0x3FB3] =	sst s0;
	s0 =	simm.s32 @!p1 $0x0  }
0x14: {  	s2 =	sld [smem:$0x3F97];
	s0 =	simm.s32 @p1 $0x1  }
0x15: {  	[smem:$0x3FB4] =	sst s0;
	s0 =	simm.s32 @!p2 $0x0  }
0x16: {  	s3 =	sld [smem:$0x3FDB];
	s0 =	simm.s32 @p2 $0x1  }
0x17: {  	s4 =	simm.s32 $0x1BF5;
	[smem:$0x3FB6] =	sst s0  }
0x18: {  	s0 =	sld [smem:$0x3F99];
	_ =	swait.ge [sflag:s4], $0x0  }
0x19: {  	s7 =	sld [smem:$0x3F9A]  }
0x1a: {  	s8 =	sadd.s32 $0xFFFFE003, lr  }
0x1b: {  	s9 =	sadd.s32 $0xFFFFFEF7, lr;
	s5 =	simm.s32 $0xFFFFFFFF;
	p2 =	slt.u32 s8, $0xFFFFF086  }
0x1c: {  	p1 =	slt.u32 s9, $0xF7A;
	s5 =	simm.s32 @!p2 $0x0  }
0x1d: {  	s5 =	simm.s32 @p1 $0x1;
	p0 =	seq.s32 s7, s2  }
0x1e: {  	s7 =	smul.u32 @!p0 $0xF7A, s2;
	p2 =	seq.s32 @!p0 s5, $0x0  }
0x1f: {  	s9 =	smul.u32 $0xF7A, s1;
	s8 =	simm.s32 @!p0 $0x1BF5;
	p2 =	por !p2, p0  }
0x20: {  	[sflag:s8] =	ssyncset.s32 @!p0 $0xFFFFF086;
	s6 =	sadd.s32 @!p0 s3, s7;
	s7 =	simm.s32 @!p0 $0x108  }
0x21: {  	s3 =	sadd.s32 s3, s9;
	s6 =	sadd.s32 @!p0 $0x88, s6;
	s7 =	simm.s32 @p2 $0x1082  }
0x22: {  	[simem:s7], [sflag:s8] =	dma.local @!p0 [hbm:s6], $0xF7A  }
0x23: {  	s9 =	sor.u32 $0xD0000000, s2;
	s6 =	simm.s32 $0x108;
	_ =	swait.ge @!p0 [sflag:s8], $0x0  }
0x24: {  	s3 =	sadd.s32 $0x88, s3;
	s6 =	simm.s32 @!p1 $0x1082;
	[sflag:s4] =	ssyncset.s32 $0xFFFFF086  }
0x25: {  	[simem:s6], [sflag:s4] =	dma.local [hbm:s3], $0xF7A  }
0x26: {  	[smem:$0x3F9A] =	sst s1;
	(tag) =	ssettag s2;
	_ =	strace s9  }
0x27: {  	s1 =	sld [smem:$0x3FAA]  }
0x28: {  	s2 =	sld [smem:$0x3FAB]  }
0x29: {  	s4 =	sld [smem:$0x3FAD]  }
0x2a: {  	p0 =	seq.s32 s5, $0x0;
	s5 =	sld [smem:$0x3FAE]  }
0x2b: {  	s6 =	sld [smem:$0x3FAF]  }
0x2c: {  	s7 =	sld [smem:$0x3FB0]  }
0x2d: {  	s3 =	simm.s32 $0x108;
	s8 =	sld [smem:$0x3FB1]  }
0x2e: {  	s3 =	simm.s32 @!p0 $0x1082;
	s9 =	sld [smem:$0x3FB2]  }
0x2f: {  	lr =	sadd.s32 s0, s3;
	s0 =	sld [smem:$0x3FA9]  }
0x30: {  	s3 =	sld [smem:$0x3FAC]  }
0x31: {  	[smem:$0x3FB5] =	sst s10  }
0x32: {  	s10 =	sld [smem:$0x3FB3];
	_ =	sdelay $0x3  }
0x33: {  	p0 =	seq.s32 s10, $0x1;
	s10 =	sld [smem:$0x3FB5];
	_ =	sdelay $0x3  }
0x34: {  	[smem:$0x3FB5] =	sst s10  }
0x35: {  	s10 =	sld [smem:$0x3FB4];
	_ =	sdelay $0x3  }
0x36: {  	p1 =	seq.s32 s10, $0x1;
	s10 =	sld [smem:$0x3FB5];
	_ =	sdelay $0x3  }
0x37: {  	[smem:$0x3FB5] =	sst s10  }
0x38: {  	s10 =	sld [smem:$0x3FB6]  }
0x39: {  	_ = 	snop;
	(pc) =	sbr.ind lr, $3  }
0x3a: {  	_ = 	snop  }
0x3b: {  	_ = 	snop  }
0x3c: {  	p2 =	seq.s32 s10, $0x1;
	s10 =	sld [smem:$0x3FB5]  }
0x3d: {  	_ =	shalt  }
0x3e: {  	_ =	shalt  }
0x3f: {  	_ =	shalt  }
0x40: {  	_ =	shalt  }
0x41: {  	_ =	shalt  }
0x42: {  	_ =	shalt  }
0x43: {  	_ =	shalt  }
0x44: {  	_ =	shalt  }
0x45: {  	_ =	shalt  }
0x46: {  	_ =	shalt  }
0x47: {  	_ =	shalt  }
0x48: {  	_ =	shalt  }
0x49: {  	_ =	shalt  }
0x4a: {  	_ =	shalt  }
0x4b: {  	_ =	shalt  }
0x4c: {  	_ =	shalt  }
0x4d: {  	_ =	shalt  }
0x4e: {  	_ =	shalt  }
0x4f: {  	_ =	shalt  }
0x50: {  	_ =	shalt  }
0x51: {  	_ =	shalt  }
0x52: {  	_ =	shalt  }
0x53: {  	_ =	shalt  }
0x54: {  	_ =	shalt  }
0x55: {  	_ =	shalt  }
0x56: {  	_ =	shalt  }
0x57: {  	_ =	shalt  }
0x58: {  	_ =	shalt  }
0x59: {  	_ =	shalt  }
0x5a: {  	_ =	shalt  }
0x5b: {  	_ =	shalt  }
0x5c: {  	_ =	shalt  }
0x5d: {  	_ =	shalt  }
0x5e: {  	_ =	shalt  }
0x5f: {  	_ =	shalt  }
0x60: {  	_ =	shalt  }
0x61: {  	_ =	shalt  }
0x62: {  	_ =	shalt  }
0x63: {  	_ =	shalt  }
0x64: {  	_ =	shalt  }
0x65: {  	_ =	shalt  }
0x66: {  	_ =	shalt  }
0x67: {  	_ =	shalt  }
0x68: {  	_ =	shalt  }
0x69: {  	_ =	shalt  }
0x6a: {  	_ =	shalt  }
0x6b: {  	_ =	shalt  }
0x6c: {  	_ =	shalt  }
0x6d: {  	_ =	shalt  }
0x6e: {  	_ =	shalt  }
0x6f: {  	_ =	shalt  }
0x70: {  	_ =	shalt  }
0x71: {  	_ =	shalt  }
0x72: {  	_ =	shalt  }
0x73: {  	_ =	shalt  }
0x74: {  	_ =	shalt  }
0x75: {  	_ =	shalt  }
0x76: {  	_ =	shalt  }
0x77: {  	_ =	shalt  }
0x78: {  	_ =	shalt  }
0x79: {  	_ =	shalt  }
0x7a: {  	_ =	shalt  }
0x7b: {  	_ =	shalt  }
0x7c: {  	_ =	shalt  }
0x7d: {  	_ =	shalt  }
0x7e: {  	_ =	shalt  }
0x7f: {  	_ =	shalt  }
0x80: {  	_ =	shalt  }
0x81: {  	_ =	shalt  }
0x82: {  	_ =	shalt  }
0x83: {  	_ =	shalt  }
0x84: {  	_ =	shalt  }
0x85: {  	_ =	shalt  }
0x86: {  	_ =	shalt  }
0x87: {  	_ =	shalt  }
.Lfunc_end0:
.L_simem_size_0:
called_computation.1_lowered:
.L_overlay_start_0:
0x88: {  	s0 =	sld [smem:$0x3FD9]  }
0x89: {  	s1 =	sld [smem:$0x3FFE];
	_ =	sdelay $0x3  }
0x8a: {  	s0 =	sadd.s32 s1, s0  }
0x8b: {  	[smem:$0x3FC1] =	sst s0  }
0x8c: {  	_ = 	snop  }
0x8d: {  	(tm) =	ssettm $0x1  }
0x8e: {  	s15 =	sld [smem:$0x3FFB];
	_ =	sdelay $0x3  }
0x8f: {  	_ =	strace s15  }
0x90: {  	s0 =	sld [smem:$0x3FFC];
	_ =	sdelay $0x3  }
0x91: {  	_ =	strace s0  }
0x92: {  	s0 =	sld [smem:$0x3FFD];
	_ =	sdelay $0x3  }
0x93: {  	_ =	strace s0  }
0x94: {  	_ =	strace $0x8FFFFFFF  }
0x95: {  	s16 =	sld [smem:$0x3FDB];
	_ =	sdelay $0x1  }
0x96: {  	s17 =	simm.s32 $_scs_section_size  }
0x97: {  	s2 =	simm.s32 $_size__tile_overlayer_lowered;
	s3 =	simm.s32 $_tile_overlayer_lowered  }
0x98: {  	s20 =	simm.s32 $0x1BFF;
	s19 =	sshll.u32 s3, $0x1;
	s0 =	sadd.s32 s17, s16  }
0x99: {  	s4 =	simm.s32 $0x0;
	s18 =	sshll.u32 s2, $0x1;
	s2 =	sadd.s32 s19, s0  }
0x9a: {  	[timem:s4], [sflag:s20] =	dma.local [hbm:s2], s18  }
0x9b: {  	_ =	swait.ge [sflag:s20], s18  }
0x9c: {  	s1 =	ssub.s32 $0x0, s18;
	[sflag:s20] =	ssyncset.done $0x0  }
0x9d: {  	[sflag:s20] =	ssyncadd.s32 s1;
	_ =	sdelay $0x1  }
0x9e: {  	s21 =	simm.s32 $0x1B8B  }
0x9f: {  	_ =	swait.ge [sflag:s21], $0x1  }
0xa0: {  	[sflag:s21] =	ssyncset.done $0x0  }
0xa1: {  	s23 =	simm.s32 $0x1B8E;
	s22 =	sld [smem:$0x3FFE];
	[sflag:s21] =	ssyncadd.s32 $0xFFFFFFFF  }
0xa2: {  	s24 =	simm.s32 $execute0_lowered;
	[smem:$0x3FD2] =	sst s23  }
0xa3: {  	s2 =	sshll.u32 s24, $0x1;
	_ =	strace $0x8000004C;
	[dreg:$0x1] =	wrdreg $0xFFFFFFFF  }
0xa4: {  	s25 =	simm.s32 $_size_execute0_lowered;
	s0 =	sadd.s32 s0, s2;
	[dreg:$0x0] =	wrdreg $0x0  }
0xa5: {  	s2 =	sshll.u32 s25, $0x1;
	[dreg:$0x2] =	wrdreg s0  }
0xa6: {  	[dreg:$0x3] =	wrdreg s2  }
0xa7: {  	[dreg:$0x4] =	wrdreg $0xC0  }
0xa8: {  	_ =	task [dreg:s4], $0x5FFFF  }
0xa9: {  	[dreg:$0x1] =	wrdreg $0xFFFFFFFF  }
0xaa: {  	[dreg:$0x0] =	wrdreg $0x60  }
0xab: {  	[dreg:$0x2] =	wrdreg s22  }
0xac: {  	[dreg:$0x3] =	wrdreg $0x9  }
0xad: {  	_ =	task.clear_ibuf [dreg:s4], $0x4FFFF;
	_ =	strace $0x9000004C  }
0xae: {  	s26 =	simm.s32 $0x9;
	_ =	strace $0x8000004E  }
0xaf: {  	_ =	swait.ge [sflag:s26], $0x1  }
0xb0: {  	[sflag:s26] =	ssyncadd.s32 $0xFFFFFFFF  }
0xb1: {  	_ =	strace $0x9000004E  }
0xb2: {  	_ =	sfence  }
0xb3: {  	s28 =	sld [smem:$0x0];
	_ =	sdelay $0x1  }
0xb4: {  	s29 =	srdreg.scid  }
0xb5: {  	s30 =	sshll.u32 s29, $0xD;
	s31 =	sshrl.u32 s29, $0x2  }
0xb6: {  	s1 =	sand.u32 $0x1, s29;
	s2 =	sand.u32 $0x4000, s30;
	s0 =	sadd.s32 s31, s28  }
0xb7: {  	s1 =	sor.u32 s2, s1;
	s0 =	sshll.u32 s0, $0x11  }
0xb8: {  	s0 =	sor.u32 s0, s1  }
0xb9: {  	s0 =	sadd.s32 $0x8F2B, s0  }
0xba: {  	[sflag:s0] =	ssyncadd.remote.s32 $0x1  }
0xbb: {  	_ =	sfence.sel $0xFFFF  }
0xbc: {  	[dreg:$0x0] =	wrdreg $0xFFFFFFFF;
	(pc) =	sbr.abs _section_cstart, $3  }
0xbd: {  	[dreg:$0x1] =	wrdreg $0xFFFFFFFF  }
0xbe: {  	_ =	task.clear_ibuf [dreg:s4], $0x2FFFF;
	_ =	strace $0x9FFFFFFF  }
0xbf: {  	(tm) =	ssettm $0x7FFFFFFF  }
tec
execute0_lowered:
.L_overlay_start_1:
0x0: {  	(tag) =	ssettag $0x1  }
0x1: {  	s0 =	stileid.u32  }
0x2: {  	s1 =	smin.u32 s0, $0xB;
	s2 =	sshll.u32 s0, $0x2  }
0x3: {  	s1 =	sadd.s32 s1, s2  }
0x4: {  	p0 =	slt.u32 s0, $0xB;
	s2 =	simm.s32 $0x7D0;
	s1 =	smul.u32 $0x190, s1  }
0x5: {  	s2 =	simm.s32 @!p0 $0x640  }
0x6: {  	s2 =	sadd.s32 s2, s1  }
0x7: {  	s3 =	smin.u32 s2, $0x7530  }
0x8: {  	s7 =	ssub.s32 s3, s1  }
0x9: {  	p0 =	sgt.s32 s7, $0x0  }
0xa: {  	s7 =	simm.s32 @!p0 $0x0  }
0xb: {  	s31 =	sand.u32 $0xFFF0, s7  }
0xc: {  	s2 =	sshrl.u32 s31, $0x4  }
0xd: {  	s4 =	smul.u32 $0xA3E, s2  }
0xe: {  	s9 =	rddreg [dreg:$0x0];
	s6 =	simm.s32 $0x1;
	s11 =	simm.s32 $0x3  }
0xf: {  	s13 =	simm.s32 $0x0;
	s12 =	simm.s32 $0x0;
	s8 =	sshrl.u32 s4, $0x10  }
0x10: {  	s2 =	rddreg [dreg:$0x1];
	_ =	strace $0x8000004D;
	s10 =	smul.u32 $0x190, s8  }
.Ltmp0:
0x11: {  	s5 =	sadd.s32 $0x4600, s9;
	[sflag:s6] =	ssyncpa.u1 $0x0;
	(pc) =	sbr.rel .LBB2_1-.Ltmp0, $4  }
0x12: {  	s4 =	sadd.s32 $0x165200, s9;
	p0 =	sne.s32 s7, s10;
	s10 =	simm.s32 $0x1  }
0x13: {  	s9 =	sadd.s32 $0x7AA00, s9;
	s7 =	simm.s32 $0x2;
	s10 =	simm.s32 @!p0 $0x0  }
0x14: {  	[sflag:s7] =	ssyncpa.u1 $0x0;
	p0 =	por $0x0, $0x0;
	s8 =	sadd.s32 s8, s10  }
0x15: {  	vm0 =	vmmov $0xff;
	vm1 =	vcmask $0x3F20;
	[sflag:s11] =	ssyncpa.u1 $0x0;
	s11 =	smov.u32 s1;
	s10 =	sadd.s32 $0x1, s8  }
.LBB2_6:
0x16: {  	[hbm:s17] =	stream.linear.scatter [tilespmem:s14], [sflag:$0x3], $0x400, $0x38;
	[tilespmem:$0x19320] =	vst v63  }
.LBB2_7:
0x17: {  	s13 =	sadd.s32 $0x190, s11  }
0x18: {  	s15 =	smov.u32 s1;
	p2 =	slt.s32 s13, s3  }
0x19: {  	s15 =	smov.u32 @p2 s13;
	p2 =	sne.s32 s12, s10  }
.Ltmp1:
0x1a: {  	p1 =	slt.u32 s12, $0x2;
	(pc) =	sbr.rel @!p2 .LBB2_8-.Ltmp1, $4  }
0x1b: {  	s14 =	simm.s32 @!p1 $0x3  }
0x1c: {  	s16 =	sadd.s32 $0x1, s12;
	_ =	swait.ge @!p1 [sflag:s14], $0xC800  }
0x1d: {  	p0 =	por !p0, !p0;
	s13 =	smov.u32 s11;
	[sflag:s14] =	ssyncset.done @!p1 $0x0  }
0x1e: {  	s12 =	smov.u32 s16;
	s11 =	smov.u32 s15;
	[sflag:s14] =	ssyncadd.s32 @!p1 $0xFFFF3800  }
.LBB2_1:
0x1f: {  	p1 =	sge.u32 s12, s8  }
0x20: {  	s14 =	sxor.u32 @!p1 $0xFFFFFFFF, s12  }
0x21: {  	s14 =	sand.u32 @!p1 $0x1, s14  }
0x22: {  	s14 =	smul.u32 @!p1 $0x640, s14  }
0x23: {  	s31 =	sadd.s32 $0xFFFFFFFF, s12;
	s15 =	sshrl.u32 @!p1 s11, $0x3  }
0x24: {  	s16 =	sand.u32 @!p1 $0x7, s11;
	s15 =	sadd.s32 @!p1 s5, s15;
	s14 =	sshrl.u32 @!p1 s14, $0x2  }
0x25: {  	[tilespmem:s14], [sflag:$0x2] =	stream.linear.gather @!p1 [hbm4b:s15+s16], $0x190, $0x38;
	[tilespmem:$0x19320] =	vst v63  }
0x26: {  	p1 =	sge.u32 s31, s8  }
.Ltmp2:
0x27: {  	_ = 	snop;
	(pc) =	sbr.rel @p1 .LBB2_7-.Ltmp2, $1  }
0x28: {  	_ =	sdelay $0x3  }
0x29: {  	s14 =	simm.s32 $0x1  }
0x2a: {  	s14 =	simm.s32 @!p0 $0x0  }
0x2b: {  	s15 =	smul.u32 $0x640, s14  }
0x2c: {  	_ =	swait.ge [sflag:s7], $0x190  }
0x2d: {  	[sflag:s7] =	ssyncset.done $0x0;
	s16 =	sshrl.u32 s15, $0x2  }
0x2e: {  	[sflag:s7] =	ssyncadd.s32 $0xFFFFFE70;
	s15 =	sadd.s32 $0x0, s16  }
0x2f: {  	v0 =	vld.msk [tilespmem:s15+$0x0 ss:$0x1], $0xffff;
	_ =	sdelay $0x4  }
0x30: {  	vm2 =	vgt.s32 v0, $0x0  }
0x31: {  	v0 =	vnsel vm2, $0x0, v0  }
0x32: {  	v0 =	vmin.u32 v0, $0xC34F  }
0x33: {  	v0 =	vshll.u32 v0, $0x4  }
0x34: {  	s14 =	smul.u32 $0x32000, s14;
	_ =	sdelay $0x1  }
0x35: {  	s14 =	sshrl.u32 s14, $0x2  }
0x36: {  	s14 =	sor.u32 $0x320, s14  }
0x37: {  	[tilespmem:s14], [sflag:$0x1] =	stream.indirect_vreg.gather [hbm:s4], $0x80, v0, vm0, $0x38;
	[tilespmem:$0x19320] =	vst v63  }
0x38: {  	s17 =	sadd.s32 $0x10, s16;
	s15 =	sadd.s32 $0x400, s14  }
0x39: {  	[tilespmem:s15], [sflag:$0x1] =	stream.indirect_vreg.gather [hbm:s4], $0x80, v0, vm1, $0x38;
	[tilespmem:$0x19320] =	vst v63  }
0x3a: {  	s18 =	simm.s32 $0x80;
	v0 =	vld.msk [tilespmem:s17+$0x0 ss:$0x1], $0xffff;
	s17 =	smov.u32 s14  }
.LBB2_3:
0x3b: {  	p1 =	sne.s32 s18, $0x600;
	_ =	sdelay $0x4  }
0x3c: {  	vm2 =	vgt.s32 v0, $0x0  }
0x3d: {  	v0 =	vnsel vm2, $0x0, v0  }
0x3e: {  	v0 =	vmin.u32 v0, $0xC34F  }
0x3f: {  	v0 =	vshll.u32 v0, $0x4;
	_ =	sdelay $0x3  }
.Ltmp3:
0x40: {  	s19 =	sshra.s32 s18, $0x2;
	s17 =	sadd.s32 $0x800, s17;
	(pc) =	sbr.rel @p1 .LBB2_3-.Ltmp3, $4  }
0x41: {  	[tilespmem:s17], [sflag:$0x1] =	stream.indirect_vreg.gather [hbm:s4], $0x80, v0, vm0, $0x38;
	[tilespmem:$0x19320] =	vst v63  }
0x42: {  	s19 =	sadd.s32 s19, s16;
	s20 =	sadd.s32 $0x400, s17  }
0x43: {  	[tilespmem:s20], [sflag:$0x1] =	stream.indirect_vreg.gather [hbm:s4], $0x80, v0, vm1, $0x38;
	[tilespmem:$0x19320] =	vst v63  }
0x44: {  	s18 =	sadd.s32 $0x40, s18;
	v0 =	vld.msk [tilespmem:s19+$0x0 ss:$0x1], $0xffff  }
0x45: {  	_ =	sdelay $0x3  }
0x46: {  	vm2 =	vgt.s32 v0, $0x0  }
0x47: {  	v0 =	vnsel vm2, $0x0, v0  }
0x48: {  	v0 =	vmin.u32 v0, $0xC34F  }
0x49: {  	v0 =	vshll.u32 v0, $0x4;
	_ =	sdelay $0x3  }
0x4a: {  	s16 =	sadd.s32 $0x800, s17  }
0x4b: {  	[tilespmem:s16], [sflag:$0x1] =	stream.indirect_vreg.gather [hbm:s4], $0x80, v0, vm0, $0x38;
	[tilespmem:$0x19320] =	vst v63  }
0x4c: {  	s16 =	sadd.s32 $0x400, s16  }
0x4d: {  	[tilespmem:s16], [sflag:$0x1] =	stream.indirect_vreg.gather [hbm:s4], $0x80, v0, vm1, $0x38;
	[tilespmem:$0x19320] =	vst v63  }
0x4e: {  	s13 =	sshll.u32 s13, $0x4;
	_ =	swait.ge [sflag:s6], $0xC800  }
0x4f: {  	s13 =	sadd.s32 s13, s9;
	[sflag:s6] =	ssyncset.done $0x0  }
0x50: {  	s17 =	sadd.s32 $0x0, s13;
	s16 =	simm.s32 $0x80;
	[sflag:s6] =	ssyncadd.s32 $0xFFFF3800  }
.LBB2_5:
0x51: {  	[hbm:s17] =	stream.linear.scatter [tilespmem:s14], [sflag:$0x3], $0x400, $0x38;
	[tilespmem:$0x19320] =	vst v63  }
0x52: {  	s17 =	smov.u32 s16;
	s14 =	smov.u32 s15;
	p1 =	sne.s32 s16, $0x1880  }
.Ltmp4:
0x53: {  	s16 =	sadd.s32 $0x80, s16;
	(pc) =	sbr.rel @p1 .LBB2_5-.Ltmp4, $2  }
0x54: {  	_ =	sdelay $0x2  }
0x55: {  	s15 =	sadd.s32 $0x400, s15;
	s17 =	sadd.s32 s17, s13  }
.Ltmp5:
0x56: {  	_ = 	snop;
	(pc) =	sbr.rel .LBB2_6-.Ltmp5, $1  }
0x57: {  	_ =	sdelay $0x3  }
.LBB2_8:
0x58: {  	_ =	sfence.sel $0x180000  }
0x59: {  	s1 =	simm.s32 $0x2;
	[bflag:$0x0] =	sbarrier.arrive $0xFFFF  }
0x5a: {  	s30 =	simm.s32 $0x3;
	[sflag:s1] =	ssyncpa.u1 $0x1  }
0x5b: {  	s31 =	simm.s32 $0x1;
	[sflag:s30] =	ssyncpa.u1 $0x1  }
0x5c: {  	[sflag:s31] =	ssyncpa.u1 $0x1  }
0x5d: {  	p0 =	sne.s32 s0, $0x0;
	_ =	strace $0x9000004D  }
0x5e: {  	s0 =	sadd.s32 @!p0 $0x100000, s2;
	[bflag:$0x2] =	sbarrier.arrive $0xFFFF  }
0x5f: {  	[sflag:s0] =	ssyncadd.tile.s32 @!p0 $0x1;
	_ =	shalt  }
.Lfunc_end2:
_tile_overlayer_lowered:
.L_overlay_start_2:
0x60: {  	(tag) =	ssettag $0x2  }
0x61: {  	s0 =	rddreg [dreg:$0x0];
	s2 =	stileid.u32  }
0x62: {  	s1 =	rddreg [dreg:$0x1];
	p0 =	sne.s32 s2, $0x0  }
0x63: {  	s3 =	rddreg [dreg:$0x2];
	[bflag:$0x3] =	sbarrier.arrive $0xFFFF;
	s2 =	simm.s32 @!p0 $0x1C01  }
0x64: {  	[timem:s3], [sflag:s2] =	dma.local @!p0 [hbm:s0], s1  }
0x65: {  	s0 =	simm.s32 @!p0 $0x1  }
0x66: {  	_ =	swait.ge @!p0 [sflag:s0], s1  }
0x67: {  	s1 =	ssub.s32 @!p0 $0x0, s1;
	[sflag:s0] =	ssyncset.done @!p0 $0x0  }
0x68: {  	[sflag:s0] =	ssyncadd.s32 @!p0 s1  }
0x69: {  	[bflag:$0x3] =	sbarrier.arrive $0xFFFF  }
0x6a: {  	_ =	shalt  }

// kernel: gather_offload_async_start.2
scs
__scs_entry_jumppad:
0x0: {  	(pc) =	sbr.rel $0x88, $3  }
0x1: {  	(tag) =	ssettag $0x0;
	lr =	simm.s32 $0x1  }
0x2: {  	[smem:$0x3F9A] =	sst lr;
	_ =	strace $0xD0000000  }
0x3: {  	_ = 	snop  }
0x4: {  	_ = 	snop  }
0x5: {  	_ = 	snop  }
0x6: {  	_ = 	snop  }
0x7: {  	_ = 	snop  }
__scs_overlays_trampoline_lowered:
0x8: {  	[smem:$0x3FA9] =	sst s0  }
0x9: {  	[smem:$0x3FAA] =	sst s1  }
0xa: {  	[smem:$0x3FAB] =	sst s2  }
0xb: {  	[smem:$0x3FAC] =	sst s3  }
0xc: {  	[smem:$0x3FAD] =	sst s4  }
0xd: {  	[smem:$0x3FAE] =	sst s5  }
0xe: {  	[smem:$0x3FAF] =	sst s6  }
0xf: {  	[smem:$0x3FB0] =	sst s7  }
0x10: {  	[smem:$0x3FB1] =	sst s8  }
0x11: {  	[smem:$0x3FB2] =	sst s9;
	s0 =	simm.s32 @!p0 $0x0  }
0x12: {  	s1 =	sld [smem:$0x3F98];
	s0 =	simm.s32 @p0 $0x1  }
0x13: {  	[smem:$0x3FB3] =	sst s0;
	s0 =	simm.s32 @!p1 $0x0  }
0x14: {  	s2 =	sld [smem:$0x3F97];
	s0 =	simm.s32 @p1 $0x1  }
0x15: {  	[smem:$0x3FB4] =	sst s0;
	s0 =	simm.s32 @!p2 $0x0  }
0x16: {  	s3 =	sld [smem:$0x3FDB];
	s0 =	simm.s32 @p2 $0x1  }
0x17: {  	s4 =	simm.s32 $0x1BF5;
	[smem:$0x3FB6] =	sst s0  }
0x18: {  	s0 =	sld [smem:$0x3F99];
	_ =	swait.ge [sflag:s4], $0x0  }
0x19: {  	s7 =	sld [smem:$0x3F9A]  }
0x1a: {  	s8 =	sadd.s32 $0xFFFFE003, lr  }
0x1b: {  	s9 =	sadd.s32 $0xFFFFFEF7, lr;
	s5 =	simm.s32 $0xFFFFFFFF;
	p2 =	slt.u32 s8, $0xFFFFF086  }
0x1c: {  	p1 =	slt.u32 s9, $0xF7A;
	s5 =	simm.s32 @!p2 $0x0  }
0x1d: {  	s5 =	simm.s32 @p1 $0x1;
	p0 =	seq.s32 s7, s2  }
0x1e: {  	s7 =	smul.u32 @!p0 $0xF7A, s2;
	p2 =	seq.s32 @!p0 s5, $0x0  }
0x1f: {  	s9 =	smul.u32 $0xF7A, s1;
	s8 =	simm.s32 @!p0 $0x1BF5;
	p2 =	por !p2, p0  }
0x20: {  	[sflag:s8] =	ssyncset.s32 @!p0 $0xFFFFF086;
	s6 =	sadd.s32 @!p0 s3, s7;
	s7 =	simm.s32 @!p0 $0x108  }
0x21: {  	s3 =	sadd.s32 s3, s9;
	s6 =	sadd.s32 @!p0 $0x88, s6;
	s7 =	simm.s32 @p2 $0x1082  }
0x22: {  	[simem:s7], [sflag:s8] =	dma.local @!p0 [hbm:s6], $0xF7A  }
0x23: {  	s9 =	sor.u32 $0xD0000000, s2;
	s6 =	simm.s32 $0x108;
	_ =	swait.ge @!p0 [sflag:s8], $0x0  }
0x24: {  	s3 =	sadd.s32 $0x88, s3;
	s6 =	simm.s32 @!p1 $0x1082;
	[sflag:s4] =	ssyncset.s32 $0xFFFFF086  }
0x25: {  	[simem:s6], [sflag:s4] =	dma.local [hbm:s3], $0xF7A  }
0x26: {  	[smem:$0x3F9A] =	sst s1;
	(tag) =	ssettag s2;
	_ =	strace s9  }
0x27: {  	s1 =	sld [smem:$0x3FAA]  }
0x28: {  	s2 =	sld [smem:$0x3FAB]  }
0x29: {  	s4 =	sld [smem:$0x3FAD]  }
0x2a: {  	p0 =	seq.s32 s5, $0x0;
	s5 =	sld [smem:$0x3FAE]  }
0x2b: {  	s6 =	sld [smem:$0x3FAF]  }
0x2c: {  	s7 =	sld [smem:$0x3FB0]  }
0x2d: {  	s3 =	simm.s32 $0x108;
	s8 =	sld [smem:$0x3FB1]  }
0x2e: {  	s3 =	simm.s32 @!p0 $0x1082;
	s9 =	sld [smem:$0x3FB2]  }
0x2f: {  	lr =	sadd.s32 s0, s3;
	s0 =	sld [smem:$0x3FA9]  }
0x30: {  	s3 =	sld [smem:$0x3FAC]  }
0x31: {  	[smem:$0x3FB5] =	sst s10  }
0x32: {  	s10 =	sld [smem:$0x3FB3];
	_ =	sdelay $0x3  }
0x33: {  	p0 =	seq.s32 s10, $0x1;
	s10 =	sld [smem:$0x3FB5];
	_ =	sdelay $0x3  }
0x34: {  	[smem:$0x3FB5] =	sst s10  }
0x35: {  	s10 =	sld [smem:$0x3FB4];
	_ =	sdelay $0x3  }
0x36: {  	p1 =	seq.s32 s10, $0x1;
	s10 =	sld [smem:$0x3FB5];
	_ =	sdelay $0x3  }
0x37: {  	[smem:$0x3FB5] =	sst s10  }
0x38: {  	s10 =	sld [smem:$0x3FB6]  }
0x39: {  	_ = 	snop;
	(pc) =	sbr.ind lr, $3  }
0x3a: {  	_ = 	snop  }
0x3b: {  	_ = 	snop  }
0x3c: {  	p2 =	seq.s32 s10, $0x1;
	s10 =	sld [smem:$0x3FB5]  }
0x3d: {  	_ =	shalt  }
0x3e: {  	_ =	shalt  }
0x3f: {  	_ =	shalt  }
0x40: {  	_ =	shalt  }
0x41: {  	_ =	shalt  }
0x42: {  	_ =	shalt  }
0x43: {  	_ =	shalt  }
0x44: {  	_ =	shalt  }
0x45: {  	_ =	shalt  }
0x46: {  	_ =	shalt  }
0x47: {  	_ =	shalt  }
0x48: {  	_ =	shalt  }
0x49: {  	_ =	shalt  }
0x4a: {  	_ =	shalt  }
0x4b: {  	_ =	shalt  }
0x4c: {  	_ =	shalt  }
0x4d: {  	_ =	shalt  }
0x4e: {  	_ =	shalt  }
0x4f: {  	_ =	shalt  }
0x50: {  	_ =	shalt  }
0x51: {  	_ =	shalt  }
0x52: {  	_ =	shalt  }
0x53: {  	_ =	shalt  }
0x54: {  	_ =	shalt  }
0x55: {  	_ =	shalt  }
0x56: {  	_ =	shalt  }
0x57: {  	_ =	shalt  }
0x58: {  	_ =	shalt  }
0x59: {  	_ =	shalt  }
0x5a: {  	_ =	shalt  }
0x5b: {  	_ =	shalt  }
0x5c: {  	_ =	shalt  }
0x5d: {  	_ =	shalt  }
0x5e: {  	_ =	shalt  }
0x5f: {  	_ =	shalt  }
0x60: {  	_ =	shalt  }
0x61: {  	_ =	shalt  }
0x62: {  	_ =	shalt  }
0x63: {  	_ =	shalt  }
0x64: {  	_ =	shalt  }
0x65: {  	_ =	shalt  }
0x66: {  	_ =	shalt  }
0x67: {  	_ =	shalt  }
0x68: {  	_ =	shalt  }
0x69: {  	_ =	shalt  }
0x6a: {  	_ =	shalt  }
0x6b: {  	_ =	shalt  }
0x6c: {  	_ =	shalt  }
0x6d: {  	_ =	shalt  }
0x6e: {  	_ =	shalt  }
0x6f: {  	_ =	shalt  }
0x70: {  	_ =	shalt  }
0x71: {  	_ =	shalt  }
0x72: {  	_ =	shalt  }
0x73: {  	_ =	shalt  }
0x74: {  	_ =	shalt  }
0x75: {  	_ =	shalt  }
0x76: {  	_ =	shalt  }
0x77: {  	_ =	shalt  }
0x78: {  	_ =	shalt  }
0x79: {  	_ =	shalt  }
0x7a: {  	_ =	shalt  }
0x7b: {  	_ =	shalt  }
0x7c: {  	_ =	shalt  }
0x7d: {  	_ =	shalt  }
0x7e: {  	_ =	shalt  }
0x7f: {  	_ =	shalt  }
0x80: {  	_ =	shalt  }
0x81: {  	_ =	shalt  }
0x82: {  	_ =	shalt  }
0x83: {  	_ =	shalt  }
0x84: {  	_ =	shalt  }
0x85: {  	_ =	shalt  }
0x86: {  	_ =	shalt  }
0x87: {  	_ =	shalt  }
.Lfunc_end0:
.L_simem_size_0:
called_computation.2_lowered:
.L_overlay_start_0:
0x88: {  	s0 =	sld [smem:$0x3FD9]  }
0x89: {  	s1 =	sld [smem:$0x3FFE];
	_ =	sdelay $0x3  }
0x8a: {  	s0 =	sadd.s32 s1, s0  }
0x8b: {  	[smem:$0x3FC1] =	sst s0  }
0x8c: {  	_ = 	snop  }
0x8d: {  	s0 =	sld [smem:$0x3FC8];
	(tm) =	ssettm $0x1  }
0x8e: {  	s16 =	sld [smem:$0x3FFB];
	_ =	sdelay $0x3  }
0x8f: {  	_ =	strace s16  }
0x90: {  	s1 =	sld [smem:$0x3FFC];
	_ =	sdelay $0x3  }
0x91: {  	_ =	strace s1  }
0x92: {  	s1 =	sld [smem:$0x3FFD];
	_ =	sdelay $0x3  }
0x93: {  	_ =	strace s1  }
0x94: {  	_ =	strace $0x8FFFFFFF  }
0x95: {  	s17 =	sld [smem:$0x3FDB];
	_ =	sdelay $0x1  }
0x96: {  	s2 =	simm.s32 $_scs_section_size  }
0x97: {  	s3 =	simm.s32 $_size__tile_overlayer_lowered;
	s4 =	simm.s32 $_tile_overlayer_lowered  }
0x98: {  	s20 =	simm.s32 $0x1BFF;
	s19 =	sshll.u32 s4, $0x1;
	s1 =	sadd.s32 s2, s17  }
0x99: {  	s5 =	simm.s32 $0x0;
	s18 =	sshll.u32 s3, $0x1;
	s3 =	sadd.s32 s19, s1  }
0x9a: {  	[timem:s5], [sflag:s20] =	dma.local [hbm:s3], s18  }
0x9b: {  	_ =	swait.ge [sflag:s20], s18  }
0x9c: {  	s2 =	ssub.s32 $0x0, s18;
	[sflag:s20] =	ssyncset.done $0x0  }
0x9d: {  	[sflag:s20] =	ssyncadd.s32 s2;
	_ =	sdelay $0x1  }
0x9e: {  	s21 =	simm.s32 $0x1B8B  }
0x9f: {  	_ =	swait.ge [sflag:s21], $0x1  }
0xa0: {  	[sflag:s21] =	ssyncset.done $0x0  }
0xa1: {  	s23 =	simm.s32 $0x1B8E;
	s22 =	sld [smem:$0x3FFE];
	[sflag:s21] =	ssyncadd.s32 $0xFFFFFFFF  }
0xa2: {  	s24 =	simm.s32 $execute0_lowered;
	[smem:$0x3FD2] =	sst s23  }
0xa3: {  	s3 =	sshll.u32 s24, $0x1;
	_ =	strace $0x80000049;
	[dreg:$0x1] =	wrdreg $0xFFFFFFFF  }
0xa4: {  	s25 =	simm.s32 $_size_execute0_lowered;
	s1 =	sadd.s32 s1, s3;
	[dreg:$0x0] =	wrdreg $0x0  }
0xa5: {  	s3 =	sshll.u32 s25, $0x1;
	[dreg:$0x2] =	wrdreg s1  }
0xa6: {  	[dreg:$0x3] =	wrdreg s3  }
0xa7: {  	[dreg:$0x4] =	wrdreg $0xC0  }
0xa8: {  	_ =	task [dreg:s5], $0x5FFFF  }
0xa9: {  	[dreg:$0x1] =	wrdreg $0xFFFFFFFF  }
0xaa: {  	[dreg:$0x0] =	wrdreg $0x60  }
0xab: {  	[dreg:$0x2] =	wrdreg s0  }
0xac: {  	[dreg:$0x3] =	wrdreg s22  }
0xad: {  	[dreg:$0x4] =	wrdreg $0xA  }
0xae: {  	_ =	task.clear_ibuf [dreg:s5], $0x5FFFF;
	_ =	strace $0x90000049  }
0xaf: {  	s26 =	simm.s32 $0xA;
	_ =	strace $0x8000004B  }
0xb0: {  	_ =	swait.ge [sflag:s26], $0x1  }
0xb1: {  	[sflag:s26] =	ssyncadd.s32 $0xFFFFFFFF  }
0xb2: {  	_ =	strace $0x9000004B  }
0xb3: {  	_ =	sfence  }
0xb4: {  	s28 =	sld [smem:$0x0];
	_ =	sdelay $0x1  }
0xb5: {  	s29 =	srdreg.scid  }
0xb6: {  	s30 =	sshll.u32 s29, $0xD;
	s31 =	sshrl.u32 s29, $0x2  }
0xb7: {  	s2 =	sand.u32 $0x4000, s30;
	s1 =	sand.u32 $0x1, s29;
	s0 =	sadd.s32 s31, s28  }
0xb8: {  	s1 =	sor.u32 s2, s1;
	s0 =	sshll.u32 s0, $0x11  }
0xb9: {  	s0 =	sor.u32 s0, s1  }
0xba: {  	s0 =	sadd.s32 $0x8F2B, s0  }
0xbb: {  	[sflag:s0] =	ssyncadd.remote.s32 $0x1  }
0xbc: {  	_ =	sfence.sel $0xFFFF  }
0xbd: {  	[dreg:$0x0] =	wrdreg $0xFFFFFFFF;
	(pc) =	sbr.abs _section_cstart, $3  }
0xbe: {  	[dreg:$0x1] =	wrdreg $0xFFFFFFFF  }
0xbf: {  	_ =	task.clear_ibuf [dreg:s5], $0x2FFFF;
	_ =	strace $0x9FFFFFFF  }
0xc0: {  	(tm) =	ssettm $0x7FFFFFFF  }
0xc1: {  	_ =	shalt  }
tec
execute0_lowered:
.L_overlay_start_1:
0x0: {  	(tag) =	ssettag $0x1  }
0x1: {  	s2 =	rddreg [dreg:$0x0]  }
0x2: {  	s8 =	rddreg [dreg:$0x1]  }
0x3: {  	s0 =	rddreg [dreg:$0x2]  }
0x4: {  	s1 =	stileid.u32;
	_ =	strace $0x8000004A;
	s5 =	simm.s32 $0x1  }
0x5: {  	s6 =	simm.s32 $0x4B00;
	s9 =	simm.s32 $0x1;
	s10 =	simm.s32 $0x3  }
0x6: {  	s13 =	simm.s32 $0x0;
	s12 =	simm.s32 $0x0;
	s4 =	smul.u32 $0x4B0, s1  }
0x7: {  	s3 =	sadd.s32 $0x4600, s8;
	p0 =	slt.u32 s1, $0xA;
	[sflag:s5] =	ssyncpa.u1 $0x0  }
.Ltmp0:
0x8: {  	s6 =	simm.s32 @!p0 $0x0;
	s7 =	ssub.s32 $0x7530, s4;
	(pc) =	sbr.rel .LBB2_1-.Ltmp0, $4  }
0x9: {  	s9 =	simm.s32 @!p0 $0x0;
	p0 =	sne.s32 s7, s6;
	s7 =	simm.s32 $0x1  }
0xa: {  	s8 =	sadd.s32 $0x2600, s8;
	s6 =	simm.s32 $0x2;
	s7 =	simm.s32 @!p0 $0x0  }
0xb: {  	s11 =	smov.u32 s4;
	[sflag:s6] =	ssyncpa.u1 $0x0;
	s7 =	sadd.s32 s9, s7  }
0xc: {  	vm0 =	vmmov $0xffff;
	[sflag:s10] =	ssyncpa.u1 $0x0;
	s10 =	simm.s32 $0x0;
	s9 =	sadd.s32 $0x1, s7  }
.LBB2_4:
0xd: {  	v2 =	vnsel vm1, $0x0, v2  }
0xe: {  	vm1 =	vgt.s32 v0, $0x0;
	v2 =	vmin.u32 v2, $0xC34F  }
0xf: {  	v0 =	vnsel vm1, $0x0, v0  }
0x10: {  	v0 =	vmin.u32 v0, $0xC34F  }
0x11: {  	[tilespmem:s18], [sflag:$0x1] =	stream.indirect_vreg.gather [hbm4b:s2+s10], $0x1, v1, vm0, $0x4038;
	[tilespmem:$0x12C0] =	vst v63  }
0x12: {  	(ifvalue) =	ssetifvalue $0x7FFFFFFF  }
0x13: {  	[tilespmem:s15], [sflag:$0x1] =	stream.indirect_vreg.gather [hbm4b:s2+s10], $0x1, v2, vm0, $0x4038;
	[tilespmem:$0x12C0] =	vst v63  }
0x14: {  	s29 =	sadd.s32 $0x10, s15;
	(ifvalue) =	ssetifvalue $0x7FFFFFFF  }
0x15: {  	[tilespmem:s29], [sflag:$0x1] =	stream.indirect_vreg.gather [hbm4b:s2+s10], $0x1, v0, vm0, $0x4038;
	[tilespmem:$0x12C0] =	vst v63  }
0x16: {  	_ =	swait.ge [sflag:s5], $0x4B0  }
0x17: {  	s30 =	sshrl.u32 s13, $0x3;
	[sflag:s5] =	ssyncset.done $0x0  }
0x18: {  	s31 =	sand.u32 $0x7, s13;
	s15 =	sadd.s32 s8, s30;
	[sflag:s5] =	ssyncadd.s32 $0xFFFFFB50  }
0x19: {  	[hbm4b:s15+s31] =	stream.linear.scatter [tilespmem:s14], [sflag:$0x3], $0x4B0, $0x38;
	[tilespmem:$0x12C0] =	vst v63  }
.LBB2_5:
0x1a: {  	s15 =	sadd.s32 $0x4B00, s11  }
0x1b: {  	p1 =	sgt.s32 s15, $0x752F  }
0x1c: {  	s15 =	smov.u32 @p1 s4;
	p1 =	sne.s32 s12, s9  }
.Ltmp1:
0x1d: {  	p0 =	slt.u32 s12, $0x2;
	(pc) =	sbr.rel @!p1 .LBB2_6-.Ltmp1, $4  }
0x1e: {  	s14 =	simm.s32 @!p0 $0x3  }
0x1f: {  	_ =	swait.ge @!p0 [sflag:s14], $0x4B0  }
0x20: {  	s16 =	sadd.s32 $0x1, s12;
	s13 =	smov.u32 s11;
	[sflag:s14] =	ssyncset.done @!p0 $0x0  }
0x21: {  	s12 =	smov.u32 s16;
	s11 =	smov.u32 s15;
	[sflag:s14] =	ssyncadd.s32 @!p0 $0xFFFFFB50  }
.LBB2_1:
0x22: {  	p0 =	sge.u32 s12, s7  }
0x23: {  	s14 =	sxor.u32 @!p0 $0x1, s12  }
0x24: {  	s14 =	smul.u32 @!p0 $0x12C0, s14  }
0x25: {  	s31 =	sadd.s32 $0xFFFFFFFF, s12;
	s15 =	sshrl.u32 @!p0 s11, $0x3  }
0x26: {  	s16 =	sand.u32 @!p0 $0x7, s11;
	s15 =	sadd.s32 @!p0 s3, s15;
	s14 =	sshra.s32 @!p0 s14, $0x2  }
0x27: {  	[tilespmem:s14], [sflag:$0x2] =	stream.linear.gather @!p0 [hbm4b:s15+s16], $0x4B0, $0x38;
	[tilespmem:$0x12C0] =	vst v63  }
0x28: {  	p0 =	sge.u32 s31, s7  }
.Ltmp2:
0x29: {  	_ = 	snop;
	(pc) =	sbr.rel @p0 .LBB2_5-.Ltmp2, $1  }
0x2a: {  	_ =	sdelay $0x3  }
0x2b: {  	s14 =	sand.u32 $0x1, s12  }
0x2c: {  	_ =	swait.ge [sflag:s6], $0x4B0;
	p0 =	seq.s32 s14, $0x1;
	s14 =	simm.s32 $0x4B0  }
0x2d: {  	[sflag:s6] =	ssyncset.done $0x0;
	s14 =	simm.s32 @!p0 $0x0  }
0x2e: {  	[sflag:s6] =	ssyncadd.s32 $0xFFFFFB50;
	(ifvalue) =	ssetifvalue $0x7FFFFFFF;
	v0 =	vld.msk [tilespmem:s14+$0x0 ss:$0x1], $0xffff;
	_ =	sdelay $0x4  }
0x2f: {  	s15 =	sadd.s32 $0x10, s14;
	vm1 =	vgt.s32 v0, $0x0  }
0x30: {  	v2 =	vld.msk [tilespmem:s15+$0x0 ss:$0x1], $0xffff;
	v1 =	vnsel vm1, $0x0, v0  }
0x31: {  	v1 =	vmin.u32 v1, $0xC34F;
	_ =	sdelay $0x2  }
0x32: {  	s17 =	simm.s32 $0x20;
	s14 =	sadd.s32 $0x960, s14;
	s16 =	sadd.s32 $0x10, s15  }
0x33: {  	s15 =	sadd.s32 $0x10, s14;
	s18 =	smov.u32 s14;
	v0 =	vld.msk [tilespmem:s16+$0x0 ss:$0x1], $0xffff;
	vm1 =	vgt.s32 v2, $0x0;
	(ifvalue) =	ssetifvalue $0x7FFFFFFF  }
.LBB2_3:
0x34: {  	[tilespmem:s18], [sflag:$0x1] =	stream.indirect_vreg.gather [hbm4b:s2+s10], $0x1, v1, vm0, $0x4038;
	[tilespmem:$0x12C0] =	vst v63  }
0x35: {  	s17 =	sadd.s32 $0x10, s17  }
0x36: {  	v2 =	vnsel vm1, $0x0, v2;
	p0 =	slt.u32 s17, $0x4A0  }
.Ltmp3:
0x37: {  	s18 =	smov.u32 s15;
	v1 =	vmin.u32 v2, $0xC34F;
	(pc) =	sbr.rel @p0 .LBB2_3-.Ltmp3, $3  }
0x38: {  	_ =	sdelay $0x1  }
0x39: {  	s16 =	sadd.s32 $0x10, s16  }
0x3a: {  	vm1 =	vgt.s32 v0, $0x0;
	s15 =	sadd.s32 $0x10, s15;
	v2 =	vmov v0;
	(ifvalue) =	ssetifvalue $0x7FFFFFFF;
	v0 =	vld.msk [tilespmem:s16+$0x0 ss:$0x1], $0xffff  }
.Ltmp4:
0x3b: {  	_ = 	snop;
	(pc) =	sbr.rel .LBB2_4-.Ltmp4, $1  }
0x3c: {  	_ =	sdelay $0x3  }
.LBB2_6:
0x3d: {  	_ =	sfence.sel $0x180000  }
0x3e: {  	s2 =	simm.s32 $0x2;
	[bflag:$0x0] =	sbarrier.arrive $0xFFFF  }
0x3f: {  	s30 =	simm.s32 $0x3;
	[sflag:s2] =	ssyncpa.u1 $0x1  }
0x40: {  	s31 =	simm.s32 $0x1;
	[sflag:s30] =	ssyncpa.u1 $0x1  }
0x41: {  	[sflag:s31] =	ssyncpa.u1 $0x1  }
0x42: {  	p0 =	sne.s32 s1, $0x0;
	_ =	strace $0x9000004A  }
0x43: {  	s0 =	sadd.s32 @!p0 $0x100000, s0;
	[bflag:$0x2] =	sbarrier.arrive $0xFFFF  }
0x44: {  	[sflag:s0] =	ssyncadd.tile.s32 @!p0 $0x1;
	_ =	shalt  }
.Lfunc_end2:
_tile_overlayer_lowered:
.L_overlay_start_2:
0x45: {  	(tag) =	ssettag $0x2  }
0x46: {  	s0 =	rddreg [dreg:$0x0];
	s2 =	stileid.u32  }
0x47: {  	s1 =	rddreg [dreg:$0x1];
	p0 =	sne.s32 s2, $0x0  }
0x48: {  	s3 =	rddreg [dreg:$0x2];
	[bflag:$0x3] =	sbarrier.arrive $0xFFFF;
	s2 =	simm.s32 @!p0 $0x1C01  }
0x49: {  	[timem:s3], [sflag:s2] =	dma.local @!p0 [hbm:s0], s1  }
0x4a: {  	s0 =	simm.s32 @!p0 $0x1  }
0x4b: {  	_ =	swait.ge @!p0 [sflag:s0], s1  }
0x4c: {  	s1 =	ssub.s32 @!p0 $0x0, s1;
	[sflag:s0] =	ssyncset.done @!p0 $0x0  }
0x4d: {  	[sflag:s0] =	ssyncadd.s32 @!p0 s1  }
0x4e: {  	[bflag:$0x3] =	sbarrier.arrive $0xFFFF  }
0x4f: {  	_ =	shalt  }

// kernel: gather_offload_async_start
scs
__scs_entry_jumppad:
0x0: {  	(pc) =	sbr.rel $0x88, $3  }
0x1: {  	(tag) =	ssettag $0x0;
	lr =	simm.s32 $0x1  }
0x2: {  	[smem:$0x3F9A] =	sst lr;
	_ =	strace $0xD0000000  }
0x3: {  	_ = 	snop  }
0x4: {  	_ = 	snop  }
0x5: {  	_ = 	snop  }
0x6: {  	_ = 	snop  }
0x7: {  	_ = 	snop  }
__scs_overlays_trampoline_lowered:
0x8: {  	[smem:$0x3FA9] =	sst s0  }
0x9: {  	[smem:$0x3FAA] =	sst s1  }
0xa: {  	[smem:$0x3FAB] =	sst s2  }
0xb: {  	[smem:$0x3FAC] =	sst s3  }
0xc: {  	[smem:$0x3FAD] =	sst s4  }
0xd: {  	[smem:$0x3FAE] =	sst s5  }
0xe: {  	[smem:$0x3FAF] =	sst s6  }
0xf: {  	[smem:$0x3FB0] =	sst s7  }
0x10: {  	[smem:$0x3FB1] =	sst s8  }
0x11: {  	[smem:$0x3FB2] =	sst s9;
	s0 =	simm.s32 @!p0 $0x0  }
0x12: {  	s1 =	sld [smem:$0x3F98];
	s0 =	simm.s32 @p0 $0x1  }
0x13: {  	[smem:$0x3FB3] =	sst s0;
	s0 =	simm.s32 @!p1 $0x0  }
0x14: {  	s2 =	sld [smem:$0x3F97];
	s0 =	simm.s32 @p1 $0x1  }
0x15: {  	[smem:$0x3FB4] =	sst s0;
	s0 =	simm.s32 @!p2 $0x0  }
0x16: {  	s3 =	sld [smem:$0x3FDB];
	s0 =	simm.s32 @p2 $0x1  }
0x17: {  	s4 =	simm.s32 $0x1BF5;
	[smem:$0x3FB6] =	sst s0  }
0x18: {  	s0 =	sld [smem:$0x3F99];
	_ =	swait.ge [sflag:s4], $0x0  }
0x19: {  	s7 =	sld [smem:$0x3F9A]  }
0x1a: {  	s8 =	sadd.s32 $0xFFFFE003, lr  }
0x1b: {  	s9 =	sadd.s32 $0xFFFFFEF7, lr;
	s5 =	simm.s32 $0xFFFFFFFF;
	p2 =	slt.u32 s8, $0xFFFFF086  }
0x1c: {  	p1 =	slt.u32 s9, $0xF7A;
	s5 =	simm.s32 @!p2 $0x0  }
0x1d: {  	s5 =	simm.s32 @p1 $0x1;
	p0 =	seq.s32 s7, s2  }
0x1e: {  	s7 =	smul.u32 @!p0 $0xF7A, s2;
	p2 =	seq.s32 @!p0 s5, $0x0  }
0x1f: {  	s9 =	smul.u32 $0xF7A, s1;
	s8 =	simm.s32 @!p0 $0x1BF5;
	p2 =	por !p2, p0  }
0x20: {  	[sflag:s8] =	ssyncset.s32 @!p0 $0xFFFFF086;
	s6 =	sadd.s32 @!p0 s3, s7;
	s7 =	simm.s32 @!p0 $0x108  }
0x21: {  	s3 =	sadd.s32 s3, s9;
	s6 =	sadd.s32 @!p0 $0x88, s6;
	s7 =	simm.s32 @p2 $0x1082  }
0x22: {  	[simem:s7], [sflag:s8] =	dma.local @!p0 [hbm:s6], $0xF7A  }
0x23: {  	s9 =	sor.u32 $0xD0000000, s2;
	s6 =	simm.s32 $0x108;
	_ =	swait.ge @!p0 [sflag:s8], $0x0  }
0x24: {  	s3 =	sadd.s32 $0x88, s3;
	s6 =	simm.s32 @!p1 $0x1082;
	[sflag:s4] =	ssyncset.s32 $0xFFFFF086  }
0x25: {  	[simem:s6], [sflag:s4] =	dma.local [hbm:s3], $0xF7A  }
0x26: {  	[smem:$0x3F9A] =	sst s1;
	(tag) =	ssettag s2;
	_ =	strace s9  }
0x27: {  	s1 =	sld [smem:$0x3FAA]  }
0x28: {  	s2 =	sld [smem:$0x3FAB]  }
0x29: {  	s4 =	sld [smem:$0x3FAD]  }
0x2a: {  	p0 =	seq.s32 s5, $0x0;
	s5 =	sld [smem:$0x3FAE]  }
0x2b: {  	s6 =	sld [smem:$0x3FAF]  }
0x2c: {  	s7 =	sld [smem:$0x3FB0]  }
0x2d: {  	s3 =	simm.s32 $0x108;
	s8 =	sld [smem:$0x3FB1]  }
0x2e: {  	s3 =	simm.s32 @!p0 $0x1082;
	s9 =	sld [smem:$0x3FB2]  }
0x2f: {  	lr =	sadd.s32 s0, s3;
	s0 =	sld [smem:$0x3FA9]  }
0x30: {  	s3 =	sld [smem:$0x3FAC]  }
0x31: {  	[smem:$0x3FB5] =	sst s10  }
0x32: {  	s10 =	sld [smem:$0x3FB3];
	_ =	sdelay $0x3  }
0x33: {  	p0 =	seq.s32 s10, $0x1;
	s10 =	sld [smem:$0x3FB5];
	_ =	sdelay $0x3  }
0x34: {  	[smem:$0x3FB5] =	sst s10  }
0x35: {  	s10 =	sld [smem:$0x3FB4];
	_ =	sdelay $0x3  }
0x36: {  	p1 =	seq.s32 s10, $0x1;
	s10 =	sld [smem:$0x3FB5];
	_ =	sdelay $0x3  }
0x37: {  	[smem:$0x3FB5] =	sst s10  }
0x38: {  	s10 =	sld [smem:$0x3FB6]  }
0x39: {  	_ = 	snop;
	(pc) =	sbr.ind lr, $3  }
0x3a: {  	_ = 	snop  }
0x3b: {  	_ = 	snop  }
0x3c: {  	p2 =	seq.s32 s10, $0x1;
	s10 =	sld [smem:$0x3FB5]  }
0x3d: {  	_ =	shalt  }
0x3e: {  	_ =	shalt  }
0x3f: {  	_ =	shalt  }
0x40: {  	_ =	shalt  }
0x41: {  	_ =	shalt  }
0x42: {  	_ =	shalt  }
0x43: {  	_ =	shalt  }
0x44: {  	_ =	shalt  }
0x45: {  	_ =	shalt  }
0x46: {  	_ =	shalt  }
0x47: {  	_ =	shalt  }
0x48: {  	_ =	shalt  }
0x49: {  	_ =	shalt  }
0x4a: {  	_ =	shalt  }
0x4b: {  	_ =	shalt  }
0x4c: {  	_ =	shalt  }
0x4d: {  	_ =	shalt  }
0x4e: {  	_ =	shalt  }
0x4f: {  	_ =	shalt  }
0x50: {  	_ =	shalt  }
0x51: {  	_ =	shalt  }
0x52: {  	_ =	shalt  }
0x53: {  	_ =	shalt  }
0x54: {  	_ =	shalt  }
0x55: {  	_ =	shalt  }
0x56: {  	_ =	shalt  }
0x57: {  	_ =	shalt  }
0x58: {  	_ =	shalt  }
0x59: {  	_ =	shalt  }
0x5a: {  	_ =	shalt  }
0x5b: {  	_ =	shalt  }
0x5c: {  	_ =	shalt  }
0x5d: {  	_ =	shalt  }
0x5e: {  	_ =	shalt  }
0x5f: {  	_ =	shalt  }
0x60: {  	_ =	shalt  }
0x61: {  	_ =	shalt  }
0x62: {  	_ =	shalt  }
0x63: {  	_ =	shalt  }
0x64: {  	_ =	shalt  }
0x65: {  	_ =	shalt  }
0x66: {  	_ =	shalt  }
0x67: {  	_ =	shalt  }
0x68: {  	_ =	shalt  }
0x69: {  	_ =	shalt  }
0x6a: {  	_ =	shalt  }
0x6b: {  	_ =	shalt  }
0x6c: {  	_ =	shalt  }
0x6d: {  	_ =	shalt  }
0x6e: {  	_ =	shalt  }
0x6f: {  	_ =	shalt  }
0x70: {  	_ =	shalt  }
0x71: {  	_ =	shalt  }
0x72: {  	_ =	shalt  }
0x73: {  	_ =	shalt  }
0x74: {  	_ =	shalt  }
0x75: {  	_ =	shalt  }
0x76: {  	_ =	shalt  }
0x77: {  	_ =	shalt  }
0x78: {  	_ =	shalt  }
0x79: {  	_ =	shalt  }
0x7a: {  	_ =	shalt  }
0x7b: {  	_ =	shalt  }
0x7c: {  	_ =	shalt  }
0x7d: {  	_ =	shalt  }
0x7e: {  	_ =	shalt  }
0x7f: {  	_ =	shalt  }
0x80: {  	_ =	shalt  }
0x81: {  	_ =	shalt  }
0x82: {  	_ =	shalt  }
0x83: {  	_ =	shalt  }
0x84: {  	_ =	shalt  }
0x85: {  	_ =	shalt  }
0x86: {  	_ =	shalt  }
0x87: {  	_ =	shalt  }
.Lfunc_end0:
.L_simem_size_0:
called_computation_lowered:
.L_overlay_start_0:
0x88: {  	s0 =	sld [smem:$0x3FD9]  }
0x89: {  	s1 =	sld [smem:$0x3FFE];
	_ =	sdelay $0x3  }
0x8a: {  	s0 =	sadd.s32 s1, s0  }
0x8b: {  	[smem:$0x3FC1] =	sst s0  }
0x8c: {  	_ = 	snop  }
0x8d: {  	s0 =	sld [smem:$0x3FC8];
	(tm) =	ssettm $0x1  }
0x8e: {  	s16 =	sld [smem:$0x3FFB];
	_ =	sdelay $0x3  }
0x8f: {  	_ =	strace s16  }
0x90: {  	s1 =	sld [smem:$0x3FFC];
	_ =	sdelay $0x3  }
0x91: {  	_ =	strace s1  }
0x92: {  	s1 =	sld [smem:$0x3FFD];
	_ =	sdelay $0x3  }
0x93: {  	_ =	strace s1  }
0x94: {  	_ =	strace $0x8FFFFFFF  }
0x95: {  	s17 =	sld [smem:$0x3FDB];
	_ =	sdelay $0x1  }
0x96: {  	s2 =	simm.s32 $_scs_section_size  }
0x97: {  	s3 =	simm.s32 $_size__tile_overlayer_lowered;
	s4 =	simm.s32 $_tile_overlayer_lowered  }
0x98: {  	s20 =	simm.s32 $0x1BFF;
	s19 =	sshll.u32 s4, $0x1;
	s1 =	sadd.s32 s2, s17  }
0x99: {  	s5 =	simm.s32 $0x0;
	s18 =	sshll.u32 s3, $0x1;
	s3 =	sadd.s32 s19, s1  }
0x9a: {  	[timem:s5], [sflag:s20] =	dma.local [hbm:s3], s18  }
0x9b: {  	_ =	swait.ge [sflag:s20], s18  }
0x9c: {  	s2 =	ssub.s32 $0x0, s18;
	[sflag:s20] =	ssyncset.done $0x0  }
0x9d: {  	[sflag:s20] =	ssyncadd.s32 s2;
	_ =	sdelay $0x1  }
0x9e: {  	s21 =	simm.s32 $0x1B8B  }
0x9f: {  	_ =	swait.ge [sflag:s21], $0x1  }
0xa0: {  	[sflag:s21] =	ssyncset.done $0x0  }
0xa1: {  	s23 =	simm.s32 $0x1B8E;
	s22 =	sld [smem:$0x3FFE];
	[sflag:s21] =	ssyncadd.s32 $0xFFFFFFFF  }
0xa2: {  	s24 =	simm.s32 $execute0_lowered;
	[smem:$0x3FD2] =	sst s23  }
0xa3: {  	s3 =	sshll.u32 s24, $0x1;
	_ =	strace $0x80000046;
	[dreg:$0x1] =	wrdreg $0xFFFFFFFF  }
0xa4: {  	s25 =	simm.s32 $_size_execute0_lowered;
	s1 =	sadd.s32 s1, s3;
	[dreg:$0x0] =	wrdreg $0x0  }
0xa5: {  	s3 =	sshll.u32 s25, $0x1;
	[dreg:$0x2] =	wrdreg s1  }
0xa6: {  	[dreg:$0x3] =	wrdreg s3  }
0xa7: {  	[dreg:$0x4] =	wrdreg $0xC0  }
0xa8: {  	_ =	task [dreg:s5], $0x5FFFF  }
0xa9: {  	[dreg:$0x1] =	wrdreg $0xFFFFFFFF  }
0xaa: {  	[dreg:$0x0] =	wrdreg $0x60  }
0xab: {  	[dreg:$0x2] =	wrdreg s0  }
0xac: {  	[dreg:$0x3] =	wrdreg s22  }
0xad: {  	[dreg:$0x4] =	wrdreg $0x9  }
0xae: {  	_ =	task.clear_ibuf [dreg:s5], $0x5FFFF;
	_ =	strace $0x90000046  }
0xaf: {  	s26 =	simm.s32 $0x9;
	_ =	strace $0x80000048  }
0xb0: {  	_ =	swait.ge [sflag:s26], $0x1  }
0xb1: {  	[sflag:s26] =	ssyncadd.s32 $0xFFFFFFFF  }
0xb2: {  	_ =	strace $0x90000048  }
0xb3: {  	_ =	sfence  }
0xb4: {  	s28 =	sld [smem:$0x0];
	_ =	sdelay $0x1  }
0xb5: {  	s29 =	srdreg.scid  }
0xb6: {  	s30 =	sshll.u32 s29, $0xD;
	s31 =	sshrl.u32 s29, $0x2  }
0xb7: {  	s2 =	sand.u32 $0x4000, s30;
	s1 =	sand.u32 $0x1, s29;
	s0 =	sadd.s32 s31, s28  }
0xb8: {  	s1 =	sor.u32 s2, s1;
	s0 =	sshll.u32 s0, $0x11  }
0xb9: {  	s0 =	sor.u32 s0, s1  }
0xba: {  	s0 =	sadd.s32 $0x8F2B, s0  }
0xbb: {  	[sflag:s0] =	ssyncadd.remote.s32 $0x1  }
0xbc: {  	_ =	sfence.sel $0xFFFF  }
0xbd: {  	[dreg:$0x0] =	wrdreg $0xFFFFFFFF;
	(pc) =	sbr.abs _section_cstart, $3  }
0xbe: {  	[dreg:$0x1] =	wrdreg $0xFFFFFFFF  }
0xbf: {  	_ =	task.clear_ibuf [dreg:s5], $0x2FFFF;
	_ =	strace $0x9FFFFFFF  }
0xc0: {  	(tm) =	ssettm $0x7FFFFFFF  }
0xc1: {  	_ =	shalt  }
tec
execute0_lowered:
.L_overlay_start_1:
0x0: {  	(tag) =	ssettag $0x1  }
0x1: {  	s2 =	rddreg [dreg:$0x0]  }
0x2: {  	s8 =	rddreg [dreg:$0x1]  }
0x3: {  	s0 =	rddreg [dreg:$0x2]  }
0x4: {  	s1 =	stileid.u32;
	_ =	strace $0x80000047;
	s5 =	simm.s32 $0x1  }
0x5: {  	s6 =	simm.s32 $0x4B00;
	s9 =	simm.s32 $0x1;
	s10 =	simm.s32 $0x3  }
0x6: {  	s13 =	simm.s32 $0x0;
	s12 =	simm.s32 $0x0;
	s4 =	smul.u32 $0x4B0, s1  }
0x7: {  	s3 =	sadd.s32 $0x3600, s8;
	p0 =	slt.u32 s1, $0xA;
	[sflag:s5] =	ssyncpa.u1 $0x0  }
.Ltmp0:
0x8: {  	s6 =	simm.s32 @!p0 $0x0;
	s7 =	ssub.s32 $0x7530, s4;
	(pc) =	sbr.rel .LBB2_1-.Ltmp0, $4  }
0x9: {  	s9 =	simm.s32 @!p0 $0x0;
	p0 =	sne.s32 s7, s6;
	s7 =	simm.s32 $0x1  }
0xa: {  	s8 =	sadd.s32 $0x472A00, s8;
	s6 =	simm.s32 $0x2;
	s7 =	simm.s32 @!p0 $0x0  }
0xb: {  	s11 =	smov.u32 s4;
	[sflag:s6] =	ssyncpa.u1 $0x0;
	s7 =	sadd.s32 s9, s7  }
0xc: {  	vm0 =	vmmov $0xffff;
	[sflag:s10] =	ssyncpa.u1 $0x0;
	s10 =	simm.s32 $0x0;
	s9 =	sadd.s32 $0x1, s7  }
.LBB2_4:
0xd: {  	v2 =	vnsel vm1, $0x0, v2  }
0xe: {  	vm1 =	vgt.s32 v0, $0x0;
	v2 =	vmin.u32 v2, $0xC34F  }
0xf: {  	v0 =	vnsel vm1, $0x0, v0  }
0x10: {  	v0 =	vmin.u32 v0, $0xC34F  }
0x11: {  	[tilespmem:s18], [sflag:$0x1] =	stream.indirect_vreg.gather [hbm4b:s2+s10], $0x1, v1, vm0, $0x4038;
	[tilespmem:$0x12C0] =	vst v63  }
0x12: {  	(ifvalue) =	ssetifvalue $0x7FFFFFFF  }
0x13: {  	[tilespmem:s15], [sflag:$0x1] =	stream.indirect_vreg.gather [hbm4b:s2+s10], $0x1, v2, vm0, $0x4038;
	[tilespmem:$0x12C0] =	vst v63  }
0x14: {  	s29 =	sadd.s32 $0x10, s15;
	(ifvalue) =	ssetifvalue $0x7FFFFFFF  }
0x15: {  	[tilespmem:s29], [sflag:$0x1] =	stream.indirect_vreg.gather [hbm4b:s2+s10], $0x1, v0, vm0, $0x4038;
	[tilespmem:$0x12C0] =	vst v63  }
0x16: {  	_ =	swait.ge [sflag:s5], $0x4B0  }
0x17: {  	s30 =	sshrl.u32 s13, $0x3;
	[sflag:s5] =	ssyncset.done $0x0  }
0x18: {  	s31 =	sand.u32 $0x7, s13;
	s15 =	sadd.s32 s8, s30;
	[sflag:s5] =	ssyncadd.s32 $0xFFFFFB50  }
0x19: {  	[hbm4b:s15+s31] =	stream.linear.scatter [tilespmem:s14], [sflag:$0x3], $0x4B0, $0x38;
	[tilespmem:$0x12C0] =	vst v63  }
.LBB2_5:
0x1a: {  	s15 =	sadd.s32 $0x4B00, s11  }
0x1b: {  	p1 =	sgt.s32 s15, $0x752F  }
0x1c: {  	s15 =	smov.u32 @p1 s4;
	p1 =	sne.s32 s12, s9  }
.Ltmp1:
0x1d: {  	p0 =	slt.u32 s12, $0x2;
	(pc) =	sbr.rel @!p1 .LBB2_6-.Ltmp1, $4  }
0x1e: {  	s14 =	simm.s32 @!p0 $0x3  }
0x1f: {  	_ =	swait.ge @!p0 [sflag:s14], $0x4B0  }
0x20: {  	s16 =	sadd.s32 $0x1, s12;
	s13 =	smov.u32 s11;
	[sflag:s14] =	ssyncset.done @!p0 $0x0  }
0x21: {  	s12 =	smov.u32 s16;
	s11 =	smov.u32 s15;
	[sflag:s14] =	ssyncadd.s32 @!p0 $0xFFFFFB50  }
.LBB2_1:
0x22: {  	p0 =	sge.u32 s12, s7  }
0x23: {  	s14 =	sxor.u32 @!p0 $0x1, s12  }
0x24: {  	s14 =	smul.u32 @!p0 $0x12C0, s14  }
0x25: {  	s31 =	sadd.s32 $0xFFFFFFFF, s12;
	s15 =	sshrl.u32 @!p0 s11, $0x3  }
0x26: {  	s16 =	sand.u32 @!p0 $0x7, s11;
	s15 =	sadd.s32 @!p0 s3, s15;
	s14 =	sshra.s32 @!p0 s14, $0x2  }
0x27: {  	[tilespmem:s14], [sflag:$0x2] =	stream.linear.gather @!p0 [hbm4b:s15+s16], $0x4B0, $0x38;
	[tilespmem:$0x12C0] =	vst v63  }
0x28: {  	p0 =	sge.u32 s31, s7  }
.Ltmp2:
0x29: {  	_ = 	snop;
	(pc) =	sbr.rel @p0 .LBB2_5-.Ltmp2, $1  }
0x2a: {  	_ =	sdelay $0x3  }
0x2b: {  	s14 =	sand.u32 $0x1, s12  }
0x2c: {  	_ =	swait.ge [sflag:s6], $0x4B0;
	p0 =	seq.s32 s14, $0x1;
	s14 =	simm.s32 $0x4B0  }
0x2d: {  	[sflag:s6] =	ssyncset.done $0x0;
	s14 =	simm.s32 @!p0 $0x0  }
0x2e: {  	[sflag:s6] =	ssyncadd.s32 $0xFFFFFB50;
	(ifvalue) =	ssetifvalue $0x7FFFFFFF;
	v0 =	vld.msk [tilespmem:s14+$0x0 ss:$0x1], $0xffff;
	_ =	sdelay $0x4  }
0x2f: {  	s15 =	sadd.s32 $0x10, s14;
	vm1 =	vgt.s32 v0, $0x0  }
0x30: {  	v2 =	vld.msk [tilespmem:s15+$0x0 ss:$0x1], $0xffff;
	v1 =	vnsel vm1, $0x0, v0  }
0x31: {  	v1 =	vmin.u32 v1, $0xC34F;
	_ =	sdelay $0x2  }
0x32: {  	s17 =	simm.s32 $0x20;
	s14 =	sadd.s32 $0x960, s14;
	s16 =	sadd.s32 $0x10, s15  }
0x33: {  	s15 =	sadd.s32 $0x10, s14;
	s18 =	smov.u32 s14;
	v0 =	vld.msk [tilespmem:s16+$0x0 ss:$0x1], $0xffff;
	vm1 =	vgt.s32 v2, $0x0;
	(ifvalue) =	ssetifvalue $0x7FFFFFFF  }
.LBB2_3:
0x34: {  	[tilespmem:s18], [sflag:$0x1] =	stream.indirect_vreg.gather [hbm4b:s2+s10], $0x1, v1, vm0, $0x4038;
	[tilespmem:$0x12C0] =	vst v63  }
0x35: {  	s17 =	sadd.s32 $0x10, s17  }
0x36: {  	v2 =	vnsel vm1, $0x0, v2;
	p0 =	slt.u32 s17, $0x4A0  }
.Ltmp3:
0x37: {  	s18 =	smov.u32 s15;
	v1 =	vmin.u32 v2, $0xC34F;
	(pc) =	sbr.rel @p0 .LBB2_3-.Ltmp3, $3  }
0x38: {  	_ =	sdelay $0x1  }
0x39: {  	s16 =	sadd.s32 $0x10, s16  }
0x3a: {  	vm1 =	vgt.s32 v0, $0x0;
	s15 =	sadd.s32 $0x10, s15;
	v2 =	vmov v0;
	(ifvalue) =	ssetifvalue $0x7FFFFFFF;
	v0 =	vld.msk [tilespmem:s16+$0x0 ss:$0x1], $0xffff  }
.Ltmp4:
0x3b: {  	_ = 	snop;
	(pc) =	sbr.rel .LBB2_4-.Ltmp4, $1  }
0x3c: {  	_ =	sdelay $0x3  }
.LBB2_6:
0x3d: {  	_ =	sfence.sel $0x180000  }
0x3e: {  	s2 =	simm.s32 $0x2;
	[bflag:$0x0] =	sbarrier.arrive $0xFFFF  }
0x3f: {  	s30 =	simm.s32 $0x3;
	[sflag:s2] =	ssyncpa.u1 $0x1  }
0x40: {  	s31 =	simm.s32 $0x1;
	[sflag:s30] =	ssyncpa.u1 $0x1  }
0x41: {  	[sflag:s31] =	ssyncpa.u1 $0x1  }
0x42: {  	p0 =	sne.s32 s1, $0x0;
	_ =	strace $0x90000047  }
0x43: {  	s0 =	sadd.s32 @!p0 $0x100000, s0;
	[bflag:$0x2] =	sbarrier.arrive $0xFFFF  }
0x44: {  	[sflag:s0] =	ssyncadd.tile.s32 @!p0 $0x1;
	_ =	shalt  }
.Lfunc_end2:
_tile_overlayer_lowered:
.L_overlay_start_2:
0x45: {  	(tag) =	ssettag $0x2  }
0x46: {  	s0 =	rddreg [dreg:$0x0];
	s2 =	stileid.u32  }
0x47: {  	s1 =	rddreg [dreg:$0x1];
	p0 =	sne.s32 s2, $0x0  }
0x48: {  	s3 =	rddreg [dreg:$0x2];
	[bflag:$0x3] =	sbarrier.arrive $0xFFFF;
	s2 =	simm.s32 @!p0 $0x1C01  }
0x49: {  	[timem:s3], [sflag:s2] =	dma.local @!p0 [hbm:s0], s1  }
0x4a: {  	s0 =	simm.s32 @!p0 $0x1  }
0x4b: {  	_ =	swait.ge @!p0 [sflag:s0], s1  }
0x4c: {  	s1 =	ssub.s32 @!p0 $0x0, s1;
	[sflag:s0] =	ssyncset.done @!p0 $0x0  }
0x4d: {  	[sflag:s0] =	ssyncadd.s32 @!p0 s1  }
0x4e: {  	[bflag:$0x3] =	sbarrier.arrive $0xFFFF  }
0x4f: {  	_ =	shalt  }

</sc_bundles>
